<compile_context>
chip_gen: v7x
topology: tpu7x:2x2x1
jax: 0.10.2.dev20260603
libtpu: 0.0.44.dev20260713+nightly
codegen_flags: <defaults>
</compile_context>

<pallas_src>
import functools

import jax
import jax.numpy as jnp
from jax import lax
from jax.experimental import pallas as pl
from jax.experimental.pallas import tpu as pltpu
from jax.experimental.pallas import tpu_sc as plsc

N_NODES = 10000
D = 128
N_CORES = 2
N_SUB = 16
NW = N_CORES * N_SUB
GROUP = 80
DEPTH = 4
NPAD = 10240
ROWS_PER_TILE = NPAD // N_SUB
PAD_NODE = N_NODES

def _mesh():
    return plsc.VectorSubcoreMesh(
        core_axis_name="c", subcore_axis_name="s",
        num_cores=N_CORES, num_subcores=N_SUB)


def _hist_pass(lh):

    out_type = [jax.ShapeDtypeStruct((NW, 2, NPAD), jnp.float32)]
    scratch = [
        pltpu.VMEM((lh,), jnp.int32),
        pltpu.VMEM((lh,), jnp.int32),
        pltpu.VMEM((NPAD,), jnp.float32),
        pltpu.VMEM((NPAD,), jnp.float32),
    ]

    def body(didx_ref, sidx_ref, hist_out, didx_v, sidx_v, deg_loc, od_loc):
        c = lax.axis_index("c")
        s = lax.axis_index("s")
        w = c * N_SUB + s

        pltpu.sync_copy(didx_ref.at[w], didx_v)
        pltpu.sync_copy(sidx_ref.at[w], sidx_v)

        zero16 = jnp.zeros((16,), jnp.float32)

        @pl.loop(0, NPAD // 16)
        def _zero_hist(i):
            deg_loc[pl.ds(i * 16, 16)] = zero16
            od_loc[pl.ds(i * 16, 16)] = zero16

        ones16 = jnp.ones((16,), jnp.float32)

        @pl.loop(0, lh // 16)
        def _hist(j):
            dv = didx_v[pl.ds(j * 16, 16)]
            plsc.addupdate_scatter(deg_loc, [dv], ones16)
            sv = sidx_v[pl.ds(j * 16, 16)]
            plsc.addupdate_scatter(od_loc, [sv], ones16)

        pltpu.sync_copy(deg_loc, hist_out.at[w, 0])
        pltpu.sync_copy(od_loc, hist_out.at[w, 1])

    return pl.kernel(
        body, out_type=out_type, mesh=_mesh(), scratch_types=scratch,
        compiler_params=pltpu.CompilerParams(needs_layout_passes=False))


def _su_pass(ng):

    out_type = [jax.ShapeDtypeStruct((N_CORES, NPAD, D), jnp.float32)]

    scratch = [
        pltpu.VMEM((DEPTH, 2, GROUP), jnp.int32),
    ] + [pltpu.VMEM((GROUP, D), jnp.float32) for _ in range(DEPTH)] + [
        pltpu.VMEM_SHARED((NPAD, D), jnp.float32),
    ] + [pltpu.SemaphoreType.DMA] * (2 * DEPTH)

    def body(table_ref, idx_ref, zeros_ref, acc_out, idx_buf, *rest):
        bufs = rest[:DEPTH]
        acc_sc = rest[DEPTH]
        isems = rest[DEPTH + 1:DEPTH + 1 + DEPTH]
        rsems = rest[DEPTH + 1 + DEPTH:]
        c = lax.axis_index("c")
        s = lax.axis_index("s")

        def islot(b):
            return idx_buf.at[b]

        def gslot(b):
            return idx_buf.at[b, 0]

        def sslot(b):
            return idx_buf.at[b, 1]

        pltpu.sync_copy(zeros_ref.at[pl.ds(s * ROWS_PER_TILE, ROWS_PER_TILE)],
                        acc_sc.at[pl.ds(s * ROWS_PER_TILE, ROWS_PER_TILE)])

        plsc.subcore_barrier()

        for k in range(DEPTH - 1):
            pltpu.sync_copy(idx_ref.at[c, s, k], islot(k))
        for k in range(DEPTH - 1):
            pltpu.async_copy(table_ref.at[gslot(k)],
                             bufs[k], rsems[k])
        pltpu.async_copy(idx_ref.at[c, s, DEPTH - 1],
                         islot(DEPTH - 1), isems[DEPTH - 1])

        @pl.loop(0, ng)
        def _main(g):
            for b in range(DEPTH):
                @pl.when(lax.rem(g, DEPTH) == b)
                def _step():
                    bn = (b + DEPTH - 1) % DEPTH

                    pltpu.make_async_copy(table_ref.at[gslot(b)],
                                          bufs[b], rsems[b]).wait()
                    pltpu.sync_copy(bufs[b], acc_sc.at[sslot(b)],
                                    add=True)

                    @pl.when(g + DEPTH < ng)
                    def _prefetch_idx():
                        pltpu.async_copy(idx_ref.at[c, s, g + DEPTH],
                                         islot(b), isems[b])

                    @pl.when(g + DEPTH - 1 < ng)
                    def _start_gather():
                        pltpu.make_async_copy(idx_ref.at[c, s, g + DEPTH - 1],
                                              islot(bn),
                                              isems[bn]).wait()
                        pltpu.async_copy(table_ref.at[gslot(bn)],
                                         bufs[bn], rsems[bn])

        plsc.subcore_barrier()
        pltpu.sync_copy(acc_sc.at[pl.ds(s * ROWS_PER_TILE, ROWS_PER_TILE)],
                        acc_out.at[c, pl.ds(s * ROWS_PER_TILE, ROWS_PER_TILE)])

    return pl.kernel(
        body, out_type=out_type, mesh=_mesh(), scratch_types=scratch,
        compiler_params=pltpu.CompilerParams(needs_layout_passes=False))


def _prep_hist(idx):
    return idx.reshape(NW, idx.shape[0] // NW)


def _prep_su(src, dst, ng):
    total = N_SUB * ng * GROUP
    pad = total - src.shape[0]

    def shape(a, padval):
        a = jnp.concatenate([a, jnp.full((pad,), padval, jnp.int32)])
        return a.reshape(N_SUB, ng, GROUP)

    c0 = jnp.stack([shape(dst, PAD_NODE), shape(src, PAD_NODE)], axis=2)
    c1 = jnp.stack([shape(src + NPAD, NPAD + PAD_NODE),
                    shape(dst, PAD_NODE)], axis=2)
    return jnp.stack([c0, c1], axis=0)


def _tc_norm(hist, x_pad, blk):
    grid = NPAD // blk

    def body(hist_ref, x_ref, dinv_ref, od_ref, y_ref):
        hsum = jnp.sum(hist_ref[...], axis=0)
        dinv = lax.rsqrt(hsum[0:1, :] + 1.0)
        od = hsum[1:2, :]
        dinv_col = jnp.transpose(dinv)
        od_col = jnp.transpose(od)
        dinv_ref[...] = dinv_col
        od_ref[...] = od_col
        y_ref[...] = dinv_col * x_ref[...]

    return pl.pallas_call(
        body,
        grid=(grid,),
        in_specs=[
            pl.BlockSpec((NW, 2, blk), lambda i: (0, 0, i)),
            pl.BlockSpec((blk, D), lambda i: (i, 0)),
        ],
        out_specs=[
            pl.BlockSpec((blk, 1), lambda i: (i, 0)),
            pl.BlockSpec((blk, 1), lambda i: (i, 0)),
            pl.BlockSpec((blk, D), lambda i: (i, 0)),
        ],
        out_shape=[
            jax.ShapeDtypeStruct((NPAD, 1), jnp.float32),
            jax.ShapeDtypeStruct((NPAD, 1), jnp.float32),
            jax.ShapeDtypeStruct((NPAD, D), jnp.float32),
        ],
    )(hist, x_pad)


def _tc_fuse(x_pad, U, S, dinv, odcol, W_amp, b_amp, W_g1, b_g1,
             W_diff, b_diff, W1a, W1b, bg1, w2row, bg2, blk):
    grid = NPAD // blk

    def body(x_ref, u_ref, s_ref, dinv_ref, od_ref,
             wamp_ref, bamp_ref, wg1_ref, bg1c_ref, wdiff_ref, bdiff_ref,
             w1a_ref, w1b_ref, bgate_ref, w2_ref, bg2_ref, out_ref):
        xb = x_ref[...]
        ub = u_ref[...]
        sb = s_ref[...]
        db = dinv_ref[...]
        od = od_ref[...]

        P = db * ub + (db * db) * xb
        h_align = jnp.dot(P, wamp_ref[...],
                          preferred_element_type=jnp.float32) + bamp_ref[...]
        h = jax.nn.relu(jnp.dot(P, wg1_ref[...],
                                preferred_element_type=jnp.float32)
                        + bg1c_ref[...])
        cm = jnp.dot(xb * sb, wdiff_ref[...],
                     preferred_element_type=jnp.float32) \
            + od * bdiff_ref[...]
        h_div = h + cm
        g = jax.nn.relu(
            jnp.dot(h_align, w1a_ref[...], preferred_element_type=jnp.float32)
            + jnp.dot(h_div, w1b_ref[...], preferred_element_type=jnp.float32)
            + bgate_ref[...])
        alpha = jax.nn.sigmoid(
            jnp.sum(g * w2_ref[...], axis=1, keepdims=True) + bg2_ref[...])
        out_ref[...] = alpha * h_align + (1.0 - alpha) * h_div

    wspec = pl.BlockSpec((D, D), lambda i: (0, 0))
    bspec = pl.BlockSpec((1, D), lambda i: (0, 0))
    return pl.pallas_call(
        body,
        grid=(grid,),
        in_specs=[
            pl.BlockSpec((blk, D), lambda i: (i, 0)),
            pl.BlockSpec((blk, D), lambda i: (i, 0)),
            pl.BlockSpec((blk, D), lambda i: (i, 0)),
            pl.BlockSpec((blk, 1), lambda i: (i, 0)),
            pl.BlockSpec((blk, 1), lambda i: (i, 0)),
            wspec, bspec, wspec, bspec, wspec, bspec,
            wspec, wspec, bspec, bspec,
            pl.BlockSpec((1, 1), lambda i: (0, 0)),
        ],
        out_specs=pl.BlockSpec((blk, D), lambda i: (i, 0)),
        out_shape=jax.ShapeDtypeStruct((NPAD, D), jnp.float32),
    )(x_pad, U, S, dinv, odcol, W_amp, b_amp, W_g1, b_g1, W_diff, b_diff,
      W1a, W1b, bg1, w2row, bg2)


def kernel(x, edge_index, W_amp, b_amp, W_g1, b_g1, W_diff, b_diff,
           Wg1, bg1, Wg2, bg2):
    n, d = x.shape
    e = edge_index.shape[1]
    src = edge_index[0].astype(jnp.int32)
    dst = edge_index[1].astype(jnp.int32)

    ng = -(-e // (N_SUB * GROUP))
    if ng % 2:
        ng += 1

    x_pad = jnp.zeros((NPAD, D), jnp.float32).at[:n].set(x)
    zeros = jnp.zeros((NPAD, D), jnp.float32)

    (hist,) = _hist_pass(e // NW)(_prep_hist(dst), _prep_hist(src))

    dinv, odcol, y_pad = _tc_norm(hist, x_pad, 2048)

    table = jnp.concatenate([x_pad, y_pad], axis=0)
    (acc,) = _su_pass(ng)(table, _prep_su(src, dst, ng), zeros)

    out_pad = _tc_fuse(
        x_pad, acc[1], acc[0], dinv, odcol,
        W_amp, b_amp.reshape(1, D), W_g1, b_g1.reshape(1, D),
        W_diff, b_diff.reshape(1, D),
        Wg1[:D], Wg1[D:], bg1.reshape(1, D),
        Wg2.reshape(1, D), bg2.reshape(1, 1), 2048)
    return out_pad[:n]

# --- scband reference (transcript-rebuilt; emitter-appended) ---
"""Pipeline reference for scband-adaptive-gcnlayer3-34342558499351 (READ-ONLY COPY).

The authoritative reference and input builder live on the scoring server;
editing this copy changes nothing except your own understanding.
"""

import jax, jax.numpy as jnp
import numpy as np

N_NODES = 10000
N_EDGES = 320000
D_IN = 128
D_OUT = 128


def _gcn_conv(x, src, dst, W, b, n):
    # PyG GCNConv with add_self_loops=True, symmetric normalization.
    xw = x @ W
    loop = jnp.arange(n, dtype=src.dtype)
    s = jnp.concatenate([src, loop])
    d = jnp.concatenate([dst, loop])
    deg = jnp.zeros((n,), x.dtype).at[d].add(1.0)
    dinv = jnp.where(deg > 0, 1.0 / jnp.sqrt(deg), 0.0)
    norm = dinv[s] * dinv[d]
    msg = xw[s] * norm[:, None]
    out = jnp.zeros((n, W.shape[1]), x.dtype).at[d].add(msg)
    return out + b


def setup_inputs(seed: int = 0) -> dict:
    key = jax.random.key(seed)
    ks = jax.random.split(key, 12)
    x = jax.random.normal(ks[0], (N_NODES, D_IN), dtype=jnp.float32)
    edge_index = jax.random.randint(ks[1], (2, N_EDGES), 0, N_NODES, dtype=jnp.int64)
    sc = 0.05
    W_amp = jax.random.normal(ks[2], (D_IN, D_OUT), dtype=jnp.float32) * sc
    b_amp = jnp.zeros((D_OUT,), jnp.float32)
    W_g1 = jax.random.normal(ks[3], (D_IN, D_OUT), dtype=jnp.float32) * sc
    b_g1 = jnp.zeros((D_OUT,), jnp.float32)
    W_diff = jax.random.normal(ks[4], (D_IN, D_OUT), dtype=jnp.float32) * sc
    b_diff = jax.random.normal(ks[5], (D_OUT,), dtype=jnp.float32) * sc
    Wg1 = jax.random.normal(ks[6], (2 * D_OUT, D_OUT), dtype=jnp.float32) * sc
    bg1 = jnp.zeros((D_OUT,), jnp.float32)
    Wg2 = jax.random.normal(ks[7], (D_OUT, 1), dtype=jnp.float32) * sc
    bg2 = jnp.zeros((1,), jnp.float32)
    return {
        "x": x, "edge_index": edge_index,
        "W_amp": W_amp, "b_amp": b_amp,
        "W_g1": W_g1, "b_g1": b_g1,
        "W_diff": W_diff, "b_diff": b_diff,
        "Wg1": Wg1, "bg1": bg1, "Wg2": Wg2, "bg2": bg2,
    }


def reference(x, edge_index, W_amp, b_amp, W_g1, b_g1, W_diff, b_diff, Wg1, bg1, Wg2, bg2):
    n = x.shape[0]
    src = edge_index[0]
    dst = edge_index[1]
    # AMP: GCNConv
    h_align = _gcn_conv(x, src, dst, W_amp, b_amp, n)
    # DMP: ComplementaryGCN
    h = _gcn_conv(x, src, dst, W_g1, b_g1, n)
    h = jax.nn.relu(h)
    # comp = x[col] * x[row]; scatter-add projected messages to row (= src)
    comp = x[dst] * x[src]
    proj = comp @ W_diff + b_diff
    comp_msg = jnp.zeros_like(h).at[src].add(proj)
    h_div = h + comp_msg
    # gate
    gate_input = jnp.concatenate([h_align, h_div], axis=1)
    g = jax.nn.relu(gate_input @ Wg1 + bg1)
    alpha = jax.nn.sigmoid(g @ Wg2 + bg2)
    out = alpha * h_align + (1.0 - alpha) * h_div
    return out

if __name__ == "__main__":
    import jax
    _d = setup_inputs()
    print(jax.jit(kernel)(*tuple(_d.values())))

</pallas_src>

<mosaic_0001>
#map = affine_map<(d0, d1) -> (0, 0)>
#map1 = affine_map<(d0, d1) -> (0, 0, 0, 0, 0)>
#map2 = affine_map<(d0, d1) -> (0, 0, 0)>
module attributes {stable_mosaic.version = 14 : i64} {
  func.func @body(%arg0: i32, %arg1: i32, %arg2: memref<20480x128xf32, #tpu.memory_space<hbm>>, %arg3: memref<2x16x250x2x80xi32, #tpu.memory_space<hbm>>, %arg4: memref<10240x128xf32, #tpu.memory_space<hbm>>, %arg5: memref<2x10240x128xf32, #tpu.memory_space<hbm>>, %arg6: memref<4x2x80xi32, #tpu.memory_space<vmem>>, %arg7: memref<80x128xf32, #tpu.memory_space<vmem>>, %arg8: memref<80x128xf32, #tpu.memory_space<vmem>>, %arg9: memref<80x128xf32, #tpu.memory_space<vmem>>, %arg10: memref<80x128xf32, #tpu.memory_space<vmem>>, %arg11: memref<10240x128xf32, #tpu.memory_space<vmem_shared>>, %arg12: memref<!tpu.dma_semaphore, #tpu.memory_space<semaphore_mem>>, %arg13: memref<!tpu.dma_semaphore, #tpu.memory_space<semaphore_mem>>, %arg14: memref<!tpu.dma_semaphore, #tpu.memory_space<semaphore_mem>>, %arg15: memref<!tpu.dma_semaphore, #tpu.memory_space<semaphore_mem>>, %arg16: memref<!tpu.dma_semaphore, #tpu.memory_space<semaphore_mem>>, %arg17: memref<!tpu.dma_semaphore, #tpu.memory_space<semaphore_mem>>, %arg18: memref<!tpu.dma_semaphore, #tpu.memory_space<semaphore_mem>>, %arg19: memref<!tpu.dma_semaphore, #tpu.memory_space<semaphore_mem>>) attributes {dimension_semantics = [#tpu.dimension_semantics<core_parallel>, #tpu.dimension_semantics<subcore_parallel>], iteration_bounds = array<i64: 2, 16>, scalar_prefetch = 0 : i64, scratch_operands = 14 : i64, tpu.core_type = #tpu.core_type<sc_vector_subcore>, window_params = [{transform_indices = #map}, {transform_indices = #map1}, {transform_indices = #map}, {transform_indices = #map2}]} {
    %mul3A = arith.constant 640 : i32
    %mul3A_0 = arith.muli %arg1, %mul3A : i32
    %mul3A_1 = arith.constant 640 : i32
    %mul3A_2 = arith.muli %arg1, %mul3A_1 : i32
    "tpu.region"() ({
      %run_scoped3A_58 = tpu.sem_alloc : memref<!tpu.dma_semaphore, #tpu.memory_space<semaphore_mem>>
      %dma_start3A_59 = arith.constant 0 : i32
      %dma_start3A_60 = tpu.memref_slice %arg11[%mul3A_2, %dma_start3A_59] : memref<10240x128xf32, #tpu.memory_space<vmem_shared>> -> memref<640x128xf32, #tpu.memory_space<vmem_shared>>
      %dma_start3A_61 = arith.constant 0 : i32
      %dma_start3A_62 = tpu.memref_slice %arg4[%mul3A_0, %dma_start3A_61] : memref<10240x128xf32, #tpu.memory_space<hbm>> -> memref<640x128xf32, #tpu.memory_space<hbm>>
      tpu.enqueue_dma source(%dma_start3A_62 : memref<640x128xf32, #tpu.memory_space<hbm>>) target(%dma_start3A_60 : memref<640x128xf32, #tpu.memory_space<vmem_shared>>) target_semaphore(%run_scoped3A_58 : memref<!tpu.dma_semaphore, #tpu.memory_space<semaphore_mem>>)
      %dma_wait3A = arith.constant 0 : i32
      %dma_wait3A_63 = tpu.memref_slice %arg11[%mul3A_2, %dma_wait3A] : memref<10240x128xf32, #tpu.memory_space<vmem_shared>> -> memref<640x128xf32, #tpu.memory_space<vmem_shared>>
      %dma_wait3A_64 = arith.constant 0 : i32
      %dma_wait3A_65 = tpu.memref_slice %arg4[%mul3A_0, %dma_wait3A_64] : memref<10240x128xf32, #tpu.memory_space<hbm>> -> memref<640x128xf32, #tpu.memory_space<hbm>>
      tpu.wait_dma2 semaphore(%run_scoped3A_58 : memref<!tpu.dma_semaphore, #tpu.memory_space<semaphore_mem>>) src(%dma_wait3A_65 : memref<640x128xf32, #tpu.memory_space<hbm>>) dst(%dma_wait3A_63 : memref<640x128xf32, #tpu.memory_space<vmem_shared>>)
      tpu.yield
    }) : () -> ()
    %barrier3A = arith.constant 0 : index
    tpu.barrier barrier_id(%barrier3A)
    %run_scoped3A = arith.constant 0 : i32
    %run_scoped3A_3 = arith.constant 0 : i32
    "tpu.region"() ({
      %run_scoped3A_58 = tpu.sem_alloc : memref<!tpu.dma_semaphore, #tpu.memory_space<semaphore_mem>>
      %dma_start3A_59 = arith.constant 0 : i32
      %dma_start3A_60 = arith.constant 0 : i32
      %dma_start3A_61 = tpu.memref_slice %arg6[%run_scoped3A_3, %dma_start3A_59, %dma_start3A_60] : memref<4x2x80xi32, #tpu.memory_space<vmem>> -> memref<1x2x80xi32, #tpu.memory_space<vmem>>
      %dma_start3A_62 = tpu.memref_squeeze %dma_start3A_61 : memref<1x2x80xi32, #tpu.memory_space<vmem>> -> memref<2x80xi32, #tpu.memory_space<vmem>>
      %dma_start3A_63 = arith.constant 0 : i32
      %dma_start3A_64 = arith.constant 0 : i32
      %dma_start3A_65 = tpu.memref_slice %arg3[%arg0, %arg1, %run_scoped3A, %dma_start3A_63, %dma_start3A_64] : memref<2x16x250x2x80xi32, #tpu.memory_space<hbm>> -> memref<1x1x1x2x80xi32, #tpu.memory_space<hbm>>
      %dma_start3A_66 = tpu.memref_squeeze %dma_start3A_65 : memref<1x1x1x2x80xi32, #tpu.memory_space<hbm>> -> memref<2x80xi32, #tpu.memory_space<hbm>>
      %dma_start3A_67 = arith.constant 0 : i32
      %dma_start3A_68 = arith.constant 0 : i32
      %dma_start3A_69 = tpu.memref_slice %arg6[%run_scoped3A_3, %dma_start3A_67, %dma_start3A_68] : memref<4x2x80xi32, #tpu.memory_space<vmem>> -> memref<1x2x80xi32, #tpu.memory_space<vmem>>
      %dma_start3A_70 = tpu.memref_squeeze %dma_start3A_69 : memref<1x2x80xi32, #tpu.memory_space<vmem>> -> memref<2x80xi32, #tpu.memory_space<vmem>>
      %dma_start3A_71 = arith.constant 0 : i32
      %dma_start3A_72 = arith.constant 0 : i32
      %dma_start3A_73 = tpu.memref_slice %arg3[%arg0, %arg1, %run_scoped3A, %dma_start3A_71, %dma_start3A_72] : memref<2x16x250x2x80xi32, #tpu.memory_space<hbm>> -> memref<1x1x1x2x80xi32, #tpu.memory_space<hbm>>
      %dma_start3A_74 = tpu.memref_squeeze %dma_start3A_73 : memref<1x1x1x2x80xi32, #tpu.memory_space<hbm>> -> memref<2x80xi32, #tpu.memory_space<hbm>>
      tpu.enqueue_dma source(%dma_start3A_74 : memref<2x80xi32, #tpu.memory_space<hbm>>) target(%dma_start3A_70 : memref<2x80xi32, #tpu.memory_space<vmem>>) target_semaphore(%run_scoped3A_58 : memref<!tpu.dma_semaphore, #tpu.memory_space<semaphore_mem>>)
      %dma_wait3A = arith.constant 0 : i32
      %dma_wait3A_75 = arith.constant 0 : i32
      %dma_wait3A_76 = tpu.memref_slice %arg6[%run_scoped3A_3, %dma_wait3A, %dma_wait3A_75] : memref<4x2x80xi32, #tpu.memory_space<vmem>> -> memref<1x2x80xi32, #tpu.memory_space<vmem>>
      %dma_wait3A_77 = tpu.memref_squeeze %dma_wait3A_76 : memref<1x2x80xi32, #tpu.memory_space<vmem>> -> memref<2x80xi32, #tpu.memory_space<vmem>>
      %dma_wait3A_78 = arith.constant 0 : i32
      %dma_wait3A_79 = arith.constant 0 : i32
      %dma_wait3A_80 = tpu.memref_slice %arg3[%arg0, %arg1, %run_scoped3A, %dma_wait3A_78, %dma_wait3A_79] : memref<2x16x250x2x80xi32, #tpu.memory_space<hbm>> -> memref<1x1x1x2x80xi32, #tpu.memory_space<hbm>>
      %dma_wait3A_81 = tpu.memref_squeeze %dma_wait3A_80 : memref<1x1x1x2x80xi32, #tpu.memory_space<hbm>> -> memref<2x80xi32, #tpu.memory_space<hbm>>
      %dma_wait3A_82 = arith.constant 0 : i32
      %dma_wait3A_83 = arith.constant 0 : i32
      %dma_wait3A_84 = tpu.memref_slice %arg6[%run_scoped3A_3, %dma_wait3A_82, %dma_wait3A_83] : memref<4x2x80xi32, #tpu.memory_space<vmem>> -> memref<1x2x80xi32, #tpu.memory_space<vmem>>
      %dma_wait3A_85 = tpu.memref_squeeze %dma_wait3A_84 : memref<1x2x80xi32, #tpu.memory_space<vmem>> -> memref<2x80xi32, #tpu.memory_space<vmem>>
      %dma_wait3A_86 = arith.constant 0 : i32
      %dma_wait3A_87 = arith.constant 0 : i32
      %dma_wait3A_88 = tpu.memref_slice %arg3[%arg0, %arg1, %run_scoped3A, %dma_wait3A_86, %dma_wait3A_87] : memref<2x16x250x2x80xi32, #tpu.memory_space<hbm>> -> memref<1x1x1x2x80xi32, #tpu.memory_space<hbm>>
      %dma_wait3A_89 = tpu.memref_squeeze %dma_wait3A_88 : memref<1x1x1x2x80xi32, #tpu.memory_space<hbm>> -> memref<2x80xi32, #tpu.memory_space<hbm>>
      tpu.wait_dma2 semaphore(%run_scoped3A_58 : memref<!tpu.dma_semaphore, #tpu.memory_space<semaphore_mem>>) src(%dma_wait3A_89 : memref<2x80xi32, #tpu.memory_space<hbm>>) dst(%dma_wait3A_85 : memref<2x80xi32, #tpu.memory_space<vmem>>)
      tpu.yield
    }) : () -> ()
    %run_scoped3A_4 = arith.constant 1 : i32
    %run_scoped3A_5 = arith.constant 1 : i32
    "tpu.region"() ({
      %run_scoped3A_58 = tpu.sem_alloc : memref<!tpu.dma_semaphore, #tpu.memory_space<semaphore_mem>>
      %dma_start3A_59 = arith.constant 0 : i32
      %dma_start3A_60 = arith.constant 0 : i32
      %dma_start3A_61 = tpu.memref_slice %arg6[%run_scoped3A_5, %dma_start3A_59, %dma_start3A_60] : memref<4x2x80xi32, #tpu.memory_space<vmem>> -> memref<1x2x80xi32, #tpu.memory_space<vmem>>
      %dma_start3A_62 = tpu.memref_squeeze %dma_start3A_61 : memref<1x2x80xi32, #tpu.memory_space<vmem>> -> memref<2x80xi32, #tpu.memory_space<vmem>>
      %dma_start3A_63 = arith.constant 0 : i32
      %dma_start3A_64 = arith.constant 0 : i32
      %dma_start3A_65 = tpu.memref_slice %arg3[%arg0, %arg1, %run_scoped3A_4, %dma_start3A_63, %dma_start3A_64] : memref<2x16x250x2x80xi32, #tpu.memory_space<hbm>> -> memref<1x1x1x2x80xi32, #tpu.memory_space<hbm>>
      %dma_start3A_66 = tpu.memref_squeeze %dma_start3A_65 : memref<1x1x1x2x80xi32, #tpu.memory_space<hbm>> -> memref<2x80xi32, #tpu.memory_space<hbm>>
      %dma_start3A_67 = arith.constant 0 : i32
      %dma_start3A_68 = arith.constant 0 : i32
      %dma_start3A_69 = tpu.memref_slice %arg6[%run_scoped3A_5, %dma_start3A_67, %dma_start3A_68] : memref<4x2x80xi32, #tpu.memory_space<vmem>> -> memref<1x2x80xi32, #tpu.memory_space<vmem>>
      %dma_start3A_70 = tpu.memref_squeeze %dma_start3A_69 : memref<1x2x80xi32, #tpu.memory_space<vmem>> -> memref<2x80xi32, #tpu.memory_space<vmem>>
      %dma_start3A_71 = arith.constant 0 : i32
      %dma_start3A_72 = arith.constant 0 : i32
      %dma_start3A_73 = tpu.memref_slice %arg3[%arg0, %arg1, %run_scoped3A_4, %dma_start3A_71, %dma_start3A_72] : memref<2x16x250x2x80xi32, #tpu.memory_space<hbm>> -> memref<1x1x1x2x80xi32, #tpu.memory_space<hbm>>
      %dma_start3A_74 = tpu.memref_squeeze %dma_start3A_73 : memref<1x1x1x2x80xi32, #tpu.memory_space<hbm>> -> memref<2x80xi32, #tpu.memory_space<hbm>>
      tpu.enqueue_dma source(%dma_start3A_74 : memref<2x80xi32, #tpu.memory_space<hbm>>) target(%dma_start3A_70 : memref<2x80xi32, #tpu.memory_space<vmem>>) target_semaphore(%run_scoped3A_58 : memref<!tpu.dma_semaphore, #tpu.memory_space<semaphore_mem>>)
      %dma_wait3A = arith.constant 0 : i32
      %dma_wait3A_75 = arith.constant 0 : i32
      %dma_wait3A_76 = tpu.memref_slice %arg6[%run_scoped3A_5, %dma_wait3A, %dma_wait3A_75] : memref<4x2x80xi32, #tpu.memory_space<vmem>> -> memref<1x2x80xi32, #tpu.memory_space<vmem>>
      %dma_wait3A_77 = tpu.memref_squeeze %dma_wait3A_76 : memref<1x2x80xi32, #tpu.memory_space<vmem>> -> memref<2x80xi32, #tpu.memory_space<vmem>>
      %dma_wait3A_78 = arith.constant 0 : i32
      %dma_wait3A_79 = arith.constant 0 : i32
      %dma_wait3A_80 = tpu.memref_slice %arg3[%arg0, %arg1, %run_scoped3A_4, %dma_wait3A_78, %dma_wait3A_79] : memref<2x16x250x2x80xi32, #tpu.memory_space<hbm>> -> memref<1x1x1x2x80xi32, #tpu.memory_space<hbm>>
      %dma_wait3A_81 = tpu.memref_squeeze %dma_wait3A_80 : memref<1x1x1x2x80xi32, #tpu.memory_space<hbm>> -> memref<2x80xi32, #tpu.memory_space<hbm>>
      %dma_wait3A_82 = arith.constant 0 : i32
      %dma_wait3A_83 = arith.constant 0 : i32
      %dma_wait3A_84 = tpu.memref_slice %arg6[%run_scoped3A_5, %dma_wait3A_82, %dma_wait3A_83] : memref<4x2x80xi32, #tpu.memory_space<vmem>> -> memref<1x2x80xi32, #tpu.memory_space<vmem>>
      %dma_wait3A_85 = tpu.memref_squeeze %dma_wait3A_84 : memref<1x2x80xi32, #tpu.memory_space<vmem>> -> memref<2x80xi32, #tpu.memory_space<vmem>>
      %dma_wait3A_86 = arith.constant 0 : i32
      %dma_wait3A_87 = arith.constant 0 : i32
      %dma_wait3A_88 = tpu.memref_slice %arg3[%arg0, %arg1, %run_scoped3A_4, %dma_wait3A_86, %dma_wait3A_87] : memref<2x16x250x2x80xi32, #tpu.memory_space<hbm>> -> memref<1x1x1x2x80xi32, #tpu.memory_space<hbm>>
      %dma_wait3A_89 = tpu.memref_squeeze %dma_wait3A_88 : memref<1x1x1x2x80xi32, #tpu.memory_space<hbm>> -> memref<2x80xi32, #tpu.memory_space<hbm>>
      tpu.wait_dma2 semaphore(%run_scoped3A_58 : memref<!tpu.dma_semaphore, #tpu.memory_space<semaphore_mem>>) src(%dma_wait3A_89 : memref<2x80xi32, #tpu.memory_space<hbm>>) dst(%dma_wait3A_85 : memref<2x80xi32, #tpu.memory_space<vmem>>)
      tpu.yield
    }) : () -> ()
    %run_scoped3A_6 = arith.constant 2 : i32
    %run_scoped3A_7 = arith.constant 2 : i32
    "tpu.region"() ({
      %run_scoped3A_58 = tpu.sem_alloc : memref<!tpu.dma_semaphore, #tpu.memory_space<semaphore_mem>>
      %dma_start3A_59 = arith.constant 0 : i32
      %dma_start3A_60 = arith.constant 0 : i32
      %dma_start3A_61 = tpu.memref_slice %arg6[%run_scoped3A_7, %dma_start3A_59, %dma_start3A_60] : memref<4x2x80xi32, #tpu.memory_space<vmem>> -> memref<1x2x80xi32, #tpu.memory_space<vmem>>
      %dma_start3A_62 = tpu.memref_squeeze %dma_start3A_61 : memref<1x2x80xi32, #tpu.memory_space<vmem>> -> memref<2x80xi32, #tpu.memory_space<vmem>>
      %dma_start3A_63 = arith.constant 0 : i32
      %dma_start3A_64 = arith.constant 0 : i32
      %dma_start3A_65 = tpu.memref_slice %arg3[%arg0, %arg1, %run_scoped3A_6, %dma_start3A_63, %dma_start3A_64] : memref<2x16x250x2x80xi32, #tpu.memory_space<hbm>> -> memref<1x1x1x2x80xi32, #tpu.memory_space<hbm>>
      %dma_start3A_66 = tpu.memref_squeeze %dma_start3A_65 : memref<1x1x1x2x80xi32, #tpu.memory_space<hbm>> -> memref<2x80xi32, #tpu.memory_space<hbm>>
      %dma_start3A_67 = arith.constant 0 : i32
      %dma_start3A_68 = arith.constant 0 : i32
      %dma_start3A_69 = tpu.memref_slice %arg6[%run_scoped3A_7, %dma_start3A_67, %dma_start3A_68] : memref<4x2x80xi32, #tpu.memory_space<vmem>> -> memref<1x2x80xi32, #tpu.memory_space<vmem>>
      %dma_start3A_70 = tpu.memref_squeeze %dma_start3A_69 : memref<1x2x80xi32, #tpu.memory_space<vmem>> -> memref<2x80xi32, #tpu.memory_space<vmem>>
      %dma_start3A_71 = arith.constant 0 : i32
      %dma_start3A_72 = arith.constant 0 : i32
      %dma_start3A_73 = tpu.memref_slice %arg3[%arg0, %arg1, %run_scoped3A_6, %dma_start3A_71, %dma_start3A_72] : memref<2x16x250x2x80xi32, #tpu.memory_space<hbm>> -> memref<1x1x1x2x80xi32, #tpu.memory_space<hbm>>
      %dma_start3A_74 = tpu.memref_squeeze %dma_start3A_73 : memref<1x1x1x2x80xi32, #tpu.memory_space<hbm>> -> memref<2x80xi32, #tpu.memory_space<hbm>>
      tpu.enqueue_dma source(%dma_start3A_74 : memref<2x80xi32, #tpu.memory_space<hbm>>) target(%dma_start3A_70 : memref<2x80xi32, #tpu.memory_space<vmem>>) target_semaphore(%run_scoped3A_58 : memref<!tpu.dma_semaphore, #tpu.memory_space<semaphore_mem>>)
      %dma_wait3A = arith.constant 0 : i32
      %dma_wait3A_75 = arith.constant 0 : i32
      %dma_wait3A_76 = tpu.memref_slice %arg6[%run_scoped3A_7, %dma_wait3A, %dma_wait3A_75] : memref<4x2x80xi32, #tpu.memory_space<vmem>> -> memref<1x2x80xi32, #tpu.memory_space<vmem>>
      %dma_wait3A_77 = tpu.memref_squeeze %dma_wait3A_76 : memref<1x2x80xi32, #tpu.memory_space<vmem>> -> memref<2x80xi32, #tpu.memory_space<vmem>>
      %dma_wait3A_78 = arith.constant 0 : i32
      %dma_wait3A_79 = arith.constant 0 : i32
      %dma_wait3A_80 = tpu.memref_slice %arg3[%arg0, %arg1, %run_scoped3A_6, %dma_wait3A_78, %dma_wait3A_79] : memref<2x16x250x2x80xi32, #tpu.memory_space<hbm>> -> memref<1x1x1x2x80xi32, #tpu.memory_space<hbm>>
      %dma_wait3A_81 = tpu.memref_squeeze %dma_wait3A_80 : memref<1x1x1x2x80xi32, #tpu.memory_space<hbm>> -> memref<2x80xi32, #tpu.memory_space<hbm>>
      %dma_wait3A_82 = arith.constant 0 : i32
      %dma_wait3A_83 = arith.constant 0 : i32
      %dma_wait3A_84 = tpu.memref_slice %arg6[%run_scoped3A_7, %dma_wait3A_82, %dma_wait3A_83] : memref<4x2x80xi32, #tpu.memory_space<vmem>> -> memref<1x2x80xi32, #tpu.memory_space<vmem>>
      %dma_wait3A_85 = tpu.memref_squeeze %dma_wait3A_84 : memref<1x2x80xi32, #tpu.memory_space<vmem>> -> memref<2x80xi32, #tpu.memory_space<vmem>>
      %dma_wait3A_86 = arith.constant 0 : i32
      %dma_wait3A_87 = arith.constant 0 : i32
      %dma_wait3A_88 = tpu.memref_slice %arg3[%arg0, %arg1, %run_scoped3A_6, %dma_wait3A_86, %dma_wait3A_87] : memref<2x16x250x2x80xi32, #tpu.memory_space<hbm>> -> memref<1x1x1x2x80xi32, #tpu.memory_space<hbm>>
      %dma_wait3A_89 = tpu.memref_squeeze %dma_wait3A_88 : memref<1x1x1x2x80xi32, #tpu.memory_space<hbm>> -> memref<2x80xi32, #tpu.memory_space<hbm>>
      tpu.wait_dma2 semaphore(%run_scoped3A_58 : memref<!tpu.dma_semaphore, #tpu.memory_space<semaphore_mem>>) src(%dma_wait3A_89 : memref<2x80xi32, #tpu.memory_space<hbm>>) dst(%dma_wait3A_85 : memref<2x80xi32, #tpu.memory_space<vmem>>)
      tpu.yield
    }) : () -> ()
    %dma_start3A = arith.constant 0 : i32
    %dma_start3A_8 = arith.constant 0 : i32
    %dma_start3A_9 = arith.constant 0 : i32
    %dma_start3A_10 = tpu.memref_slice %arg6[%dma_start3A, %dma_start3A_8, %dma_start3A_9] : memref<4x2x80xi32, #tpu.memory_space<vmem>> -> memref<1x1x80xi32, #tpu.memory_space<vmem>>
    %dma_start3A_11 = tpu.memref_squeeze %dma_start3A_10 : memref<1x1x80xi32, #tpu.memory_space<vmem>> -> memref<80xi32, #tpu.memory_space<vmem>>
    %dma_start3A_12 = arith.constant 0 : i32
    %dma_start3A_13 = arith.constant 0 : i32
    %dma_start3A_14 = tpu.memref_slice %arg2[%dma_start3A_12, %dma_start3A_13] : memref<20480x128xf32, #tpu.memory_space<hbm>> -> memref<20480x128xf32, #tpu.memory_space<hbm>>
    tpu.enqueue_indirect_dma source(%dma_start3A_14 : memref<20480x128xf32, #tpu.memory_space<hbm>>) target(%arg7 : memref<80x128xf32, #tpu.memory_space<vmem>>) offsets(%dma_start3A_11 : memref<80xi32, #tpu.memory_space<vmem>>) semaphore(%arg16 : memref<!tpu.dma_semaphore, #tpu.memory_space<semaphore_mem>>)
    %dma_start3A_15 = arith.constant 1 : i32
    %dma_start3A_16 = arith.constant 0 : i32
    %dma_start3A_17 = arith.constant 0 : i32
    %dma_start3A_18 = tpu.memref_slice %arg6[%dma_start3A_15, %dma_start3A_16, %dma_start3A_17] : memref<4x2x80xi32, #tpu.memory_space<vmem>> -> memref<1x1x80xi32, #tpu.memory_space<vmem>>
    %dma_start3A_19 = tpu.memref_squeeze %dma_start3A_18 : memref<1x1x80xi32, #tpu.memory_space<vmem>> -> memref<80xi32, #tpu.memory_space<vmem>>
    %dma_start3A_20 = arith.constant 0 : i32
    %dma_start3A_21 = arith.constant 0 : i32
    %dma_start3A_22 = tpu.memref_slice %arg2[%dma_start3A_20, %dma_start3A_21] : memref<20480x128xf32, #tpu.memory_space<hbm>> -> memref<20480x128xf32, #tpu.memory_space<hbm>>
    tpu.enqueue_indirect_dma source(%dma_start3A_22 : memref<20480x128xf32, #tpu.memory_space<hbm>>) target(%arg8 : memref<80x128xf32, #tpu.memory_space<vmem>>) offsets(%dma_start3A_19 : memref<80xi32, #tpu.memory_space<vmem>>) semaphore(%arg17 : memref<!tpu.dma_semaphore, #tpu.memory_space<semaphore_mem>>)
    %dma_start3A_23 = arith.constant 2 : i32
    %dma_start3A_24 = arith.constant 0 : i32
    %dma_start3A_25 = arith.constant 0 : i32
    %dma_start3A_26 = tpu.memref_slice %arg6[%dma_start3A_23, %dma_start3A_24, %dma_start3A_25] : memref<4x2x80xi32, #tpu.memory_space<vmem>> -> memref<1x1x80xi32, #tpu.memory_space<vmem>>
    %dma_start3A_27 = tpu.memref_squeeze %dma_start3A_26 : memref<1x1x80xi32, #tpu.memory_space<vmem>> -> memref<80xi32, #tpu.memory_space<vmem>>
    %dma_start3A_28 = arith.constant 0 : i32
    %dma_start3A_29 = arith.constant 0 : i32
    %dma_start3A_30 = tpu.memref_slice %arg2[%dma_start3A_28, %dma_start3A_29] : memref<20480x128xf32, #tpu.memory_space<hbm>> -> memref<20480x128xf32, #tpu.memory_space<hbm>>
    tpu.enqueue_indirect_dma source(%dma_start3A_30 : memref<20480x128xf32, #tpu.memory_space<hbm>>) target(%arg9 : memref<80x128xf32, #tpu.memory_space<vmem>>) offsets(%dma_start3A_27 : memref<80xi32, #tpu.memory_space<vmem>>) semaphore(%arg18 : memref<!tpu.dma_semaphore, #tpu.memory_space<semaphore_mem>>)
    %dma_start3A_31 = arith.constant 3 : i32
    %dma_start3A_32 = arith.constant 3 : i32
    %dma_start3A_33 = arith.constant 0 : i32
    %dma_start3A_34 = arith.constant 0 : i32
    %dma_start3A_35 = tpu.memref_slice %arg6[%dma_start3A_32, %dma_start3A_33, %dma_start3A_34] : memref<4x2x80xi32, #tpu.memory_space<vmem>> -> memref<1x2x80xi32, #tpu.memory_space<vmem>>
    %dma_start3A_36 = tpu.memref_squeeze %dma_start3A_35 : memref<1x2x80xi32, #tpu.memory_space<vmem>> -> memref<2x80xi32, #tpu.memory_space<vmem>>
    %dma_start3A_37 = arith.constant 0 : i32
    %dma_start3A_38 = arith.constant 0 : i32
    %dma_start3A_39 = tpu.memref_slice %arg3[%arg0, %arg1, %dma_start3A_31, %dma_start3A_37, %dma_start3A_38] : memref<2x16x250x2x80xi32, #tpu.memory_space<hbm>> -> memref<1x1x1x2x80xi32, #tpu.memory_space<hbm>>
    %dma_start3A_40 = tpu.memref_squeeze %dma_start3A_39 : memref<1x1x1x2x80xi32, #tpu.memory_space<hbm>> -> memref<2x80xi32, #tpu.memory_space<hbm>>
    %dma_start3A_41 = arith.constant 0 : i32
    %dma_start3A_42 = arith.constant 0 : i32
    %dma_start3A_43 = tpu.memref_slice %arg6[%dma_start3A_32, %dma_start3A_41, %dma_start3A_42] : memref<4x2x80xi32, #tpu.memory_space<vmem>> -> memref<1x2x80xi32, #tpu.memory_space<vmem>>
    %dma_start3A_44 = tpu.memref_squeeze %dma_start3A_43 : memref<1x2x80xi32, #tpu.memory_space<vmem>> -> memref<2x80xi32, #tpu.memory_space<vmem>>
    %dma_start3A_45 = arith.constant 0 : i32
    %dma_start3A_46 = arith.constant 0 : i32
    %dma_start3A_47 = tpu.memref_slice %arg3[%arg0, %arg1, %dma_start3A_31, %dma_start3A_45, %dma_start3A_46] : memref<2x16x250x2x80xi32, #tpu.memory_space<hbm>> -> memref<1x1x1x2x80xi32, #tpu.memory_space<hbm>>
    %dma_start3A_48 = tpu.memref_squeeze %dma_start3A_47 : memref<1x1x1x2x80xi32, #tpu.memory_space<hbm>> -> memref<2x80xi32, #tpu.memory_space<hbm>>
    tpu.enqueue_dma source(%dma_start3A_48 : memref<2x80xi32, #tpu.memory_space<hbm>>) target(%dma_start3A_44 : memref<2x80xi32, #tpu.memory_space<vmem>>) target_semaphore(%arg15 : memref<!tpu.dma_semaphore, #tpu.memory_space<semaphore_mem>>)
    %scan3A = arith.constant 0 : i32
    %scan3A_49 = arith.constant 250 : i32
    %scan3A_50 = arith.addi %scan3A, %scan3A_49 : i32
    %scan3A_51 = arith.constant 1 : i32
    scf.for %scan3A_58 = %scan3A to %scan3A_50 step %scan3A_51  : i32 {
      %mul3A_59 = arith.constant 1 : i32
      %mul3A_60 = arith.muli %scan3A_58, %mul3A_59 : i32
      %add3A = arith.constant 0 : i32
      %add3A_61 = arith.addi %add3A, %mul3A_60 : i32
      %rem3A = arith.constant 4 : i32
      %rem3A_62 = arith.remsi %add3A_61, %rem3A : i32
      %eq3A = arith.constant 0 : i32
      %eq3A_63 = arith.cmpi eq, %rem3A_62, %eq3A : i32
      %convert_element_type3A = arith.extui %eq3A_63 : i1 to i32
      %cond3A = arith.constant 0 : i32
      %cond3A_64 = arith.cmpi ne, %convert_element_type3A, %cond3A : i32
      scf.if %cond3A_64 {
        %dma_wait3A = arith.constant 0 : i32
        %dma_wait3A_86 = arith.constant 0 : i32
        %dma_wait3A_87 = arith.constant 0 : i32
        %dma_wait3A_88 = tpu.memref_slice %arg6[%dma_wait3A, %dma_wait3A_86, %dma_wait3A_87] : memref<4x2x80xi32, #tpu.memory_space<vmem>> -> memref<1x1x80xi32, #tpu.memory_space<vmem>>
        %dma_wait3A_89 = tpu.memref_squeeze %dma_wait3A_88 : memref<1x1x80xi32, #tpu.memory_space<vmem>> -> memref<80xi32, #tpu.memory_space<vmem>>
        %dma_wait3A_90 = arith.constant 0 : i32
        %dma_wait3A_91 = arith.constant 0 : i32
        %dma_wait3A_92 = tpu.memref_slice %arg2[%dma_wait3A_90, %dma_wait3A_91] : memref<20480x128xf32, #tpu.memory_space<hbm>> -> memref<20480x128xf32, #tpu.memory_space<hbm>>
        tpu.wait_indirect_dma semaphore(%arg16 : memref<!tpu.dma_semaphore, #tpu.memory_space<semaphore_mem>>) src(%dma_wait3A_92 : memref<20480x128xf32, #tpu.memory_space<hbm>>) dst(%arg7 : memref<80x128xf32, #tpu.memory_space<vmem>>)
        %run_scoped3A_93 = arith.constant 0 : i32
        %run_scoped3A_94 = arith.constant 1 : i32
        "tpu.region"() ({
          %run_scoped3A_109 = tpu.sem_alloc : memref<!tpu.dma_semaphore, #tpu.memory_space<semaphore_mem>>
          %dma_start3A_110 = arith.constant 0 : i32
          %dma_start3A_111 = tpu.memref_slice %arg6[%run_scoped3A_93, %run_scoped3A_94, %dma_start3A_110] : memref<4x2x80xi32, #tpu.memory_space<vmem>> -> memref<1x1x80xi32, #tpu.memory_space<vmem>>
          %dma_start3A_112 = tpu.memref_squeeze %dma_start3A_111 : memref<1x1x80xi32, #tpu.memory_space<vmem>> -> memref<80xi32, #tpu.memory_space<vmem>>
          %dma_start3A_113 = arith.constant 0 : i32
          %dma_start3A_114 = arith.constant 0 : i32
          %dma_start3A_115 = tpu.memref_slice %arg11[%dma_start3A_113, %dma_start3A_114] : memref<10240x128xf32, #tpu.memory_space<vmem_shared>> -> memref<10240x128xf32, #tpu.memory_space<vmem_shared>>
          tpu.enqueue_indirect_dma source(%arg7 : memref<80x128xf32, #tpu.memory_space<vmem>>) target(%dma_start3A_115 : memref<10240x128xf32, #tpu.memory_space<vmem_shared>>) offsets(%dma_start3A_112 : memref<80xi32, #tpu.memory_space<vmem>>) semaphore(%run_scoped3A_109 : memref<!tpu.dma_semaphore, #tpu.memory_space<semaphore_mem>>) {add = true}
          %dma_wait3A_116 = arith.constant 0 : i32
          %dma_wait3A_117 = tpu.memref_slice %arg6[%run_scoped3A_93, %run_scoped3A_94, %dma_wait3A_116] : memref<4x2x80xi32, #tpu.memory_space<vmem>> -> memref<1x1x80xi32, #tpu.memory_space<vmem>>
          %dma_wait3A_118 = tpu.memref_squeeze %dma_wait3A_117 : memref<1x1x80xi32, #tpu.memory_space<vmem>> -> memref<80xi32, #tpu.memory_space<vmem>>
          %dma_wait3A_119 = arith.constant 0 : i32
          %dma_wait3A_120 = arith.constant 0 : i32
          %dma_wait3A_121 = tpu.memref_slice %arg11[%dma_wait3A_119, %dma_wait3A_120] : memref<10240x128xf32, #tpu.memory_space<vmem_shared>> -> memref<10240x128xf32, #tpu.memory_space<vmem_shared>>
          tpu.wait_indirect_dma semaphore(%run_scoped3A_109 : memref<!tpu.dma_semaphore, #tpu.memory_space<semaphore_mem>>) src(%arg7 : memref<80x128xf32, #tpu.memory_space<vmem>>) dst(%dma_wait3A_121 : memref<10240x128xf32, #tpu.memory_space<vmem_shared>>)
          tpu.yield
        }) : () -> ()
        %add3A_95 = arith.constant 4 : i32
        %add3A_96 = arith.addi %add3A_61, %add3A_95 : i32
        %lt3A = arith.constant 250 : i32
        %lt3A_97 = arith.cmpi slt, %add3A_96, %lt3A : i32
        %convert_element_type3A_98 = arith.extui %lt3A_97 : i1 to i32
        %cond3A_99 = arith.constant 0 : i32
        %cond3A_100 = arith.cmpi ne, %convert_element_type3A_98, %cond3A_99 : i32
        scf.if %cond3A_100 {
          %add3A_109 = arith.constant 4 : i32
          %add3A_110 = arith.addi %add3A_61, %add3A_109 : i32
          %dma_start3A_111 = arith.constant 0 : i32
          %dma_start3A_112 = arith.constant 0 : i32
          %dma_start3A_113 = arith.constant 0 : i32
          %dma_start3A_114 = tpu.memref_slice %arg6[%dma_start3A_111, %dma_start3A_112, %dma_start3A_113] : memref<4x2x80xi32, #tpu.memory_space<vmem>> -> memref<1x2x80xi32, #tpu.memory_space<vmem>>
          %dma_start3A_115 = tpu.memref_squeeze %dma_start3A_114 : memref<1x2x80xi32, #tpu.memory_space<vmem>> -> memref<2x80xi32, #tpu.memory_space<vmem>>
          %dma_start3A_116 = arith.constant 0 : i32
          %dma_start3A_117 = arith.constant 0 : i32
          %dma_start3A_118 = tpu.memref_slice %arg3[%arg0, %arg1, %add3A_110, %dma_start3A_116, %dma_start3A_117] : memref<2x16x250x2x80xi32, #tpu.memory_space<hbm>> -> memref<1x1x1x2x80xi32, #tpu.memory_space<hbm>>
          %dma_start3A_119 = tpu.memref_squeeze %dma_start3A_118 : memref<1x1x1x2x80xi32, #tpu.memory_space<hbm>> -> memref<2x80xi32, #tpu.memory_space<hbm>>
          %dma_start3A_120 = arith.constant 0 : i32
          %dma_start3A_121 = arith.constant 0 : i32
          %dma_start3A_122 = tpu.memref_slice %arg6[%dma_start3A_111, %dma_start3A_120, %dma_start3A_121] : memref<4x2x80xi32, #tpu.memory_space<vmem>> -> memref<1x2x80xi32, #tpu.memory_space<vmem>>
          %dma_start3A_123 = tpu.memref_squeeze %dma_start3A_122 : memref<1x2x80xi32, #tpu.memory_space<vmem>> -> memref<2x80xi32, #tpu.memory_space<vmem>>
          %dma_start3A_124 = arith.constant 0 : i32
          %dma_start3A_125 = arith.constant 0 : i32
          %dma_start3A_126 = tpu.memref_slice %arg3[%arg0, %arg1, %add3A_110, %dma_start3A_124, %dma_start3A_125] : memref<2x16x250x2x80xi32, #tpu.memory_space<hbm>> -> memref<1x1x1x2x80xi32, #tpu.memory_space<hbm>>
          %dma_start3A_127 = tpu.memref_squeeze %dma_start3A_126 : memref<1x1x1x2x80xi32, #tpu.memory_space<hbm>> -> memref<2x80xi32, #tpu.memory_space<hbm>>
          tpu.enqueue_dma source(%dma_start3A_127 : memref<2x80xi32, #tpu.memory_space<hbm>>) target(%dma_start3A_123 : memref<2x80xi32, #tpu.memory_space<vmem>>) target_semaphore(%arg12 : memref<!tpu.dma_semaphore, #tpu.memory_space<semaphore_mem>>)
        } else {
        }
        %add3A_101 = arith.constant 4 : i32
        %add3A_102 = arith.addi %add3A_61, %add3A_101 : i32
        %sub3A = arith.constant 1 : i32
        %sub3A_103 = arith.subi %add3A_102, %sub3A : i32
        %lt3A_104 = arith.constant 250 : i32
        %lt3A_105 = arith.cmpi slt, %sub3A_103, %lt3A_104 : i32
        %convert_element_type3A_106 = arith.extui %lt3A_105 : i1 to i32
        %cond3A_107 = arith.constant 0 : i32
        %cond3A_108 = arith.cmpi ne, %convert_element_type3A_106, %cond3A_107 : i32
        scf.if %cond3A_108 {
          %add3A_109 = arith.constant 4 : i32
          %add3A_110 = arith.addi %add3A_61, %add3A_109 : i32
          %sub3A_111 = arith.constant 1 : i32
          %sub3A_112 = arith.subi %add3A_110, %sub3A_111 : i32
          %dma_wait3A_113 = arith.constant 3 : i32
          %dma_wait3A_114 = arith.constant 0 : i32
          %dma_wait3A_115 = arith.constant 0 : i32
          %dma_wait3A_116 = tpu.memref_slice %arg6[%dma_wait3A_113, %dma_wait3A_114, %dma_wait3A_115] : memref<4x2x80xi32, #tpu.memory_space<vmem>> -> memref<1x2x80xi32, #tpu.memory_space<vmem>>
          %dma_wait3A_117 = tpu.memref_squeeze %dma_wait3A_116 : memref<1x2x80xi32, #tpu.memory_space<vmem>> -> memref<2x80xi32, #tpu.memory_space<vmem>>
          %dma_wait3A_118 = arith.constant 0 : i32
          %dma_wait3A_119 = arith.constant 0 : i32
          %dma_wait3A_120 = tpu.memref_slice %arg3[%arg0, %arg1, %sub3A_112, %dma_wait3A_118, %dma_wait3A_119] : memref<2x16x250x2x80xi32, #tpu.memory_space<hbm>> -> memref<1x1x1x2x80xi32, #tpu.memory_space<hbm>>
          %dma_wait3A_121 = tpu.memref_squeeze %dma_wait3A_120 : memref<1x1x1x2x80xi32, #tpu.memory_space<hbm>> -> memref<2x80xi32, #tpu.memory_space<hbm>>
          %dma_wait3A_122 = arith.constant 0 : i32
          %dma_wait3A_123 = arith.constant 0 : i32
          %dma_wait3A_124 = tpu.memref_slice %arg6[%dma_wait3A_113, %dma_wait3A_122, %dma_wait3A_123] : memref<4x2x80xi32, #tpu.memory_space<vmem>> -> memref<1x2x80xi32, #tpu.memory_space<vmem>>
          %dma_wait3A_125 = tpu.memref_squeeze %dma_wait3A_124 : memref<1x2x80xi32, #tpu.memory_space<vmem>> -> memref<2x80xi32, #tpu.memory_space<vmem>>
          %dma_wait3A_126 = arith.constant 0 : i32
          %dma_wait3A_127 = arith.constant 0 : i32
          %dma_wait3A_128 = tpu.memref_slice %arg3[%arg0, %arg1, %sub3A_112, %dma_wait3A_126, %dma_wait3A_127] : memref<2x16x250x2x80xi32, #tpu.memory_space<hbm>> -> memref<1x1x1x2x80xi32, #tpu.memory_space<hbm>>
          %dma_wait3A_129 = tpu.memref_squeeze %dma_wait3A_128 : memref<1x1x1x2x80xi32, #tpu.memory_space<hbm>> -> memref<2x80xi32, #tpu.memory_space<hbm>>
          tpu.wait_dma2 semaphore(%arg15 : memref<!tpu.dma_semaphore, #tpu.memory_space<semaphore_mem>>) src(%dma_wait3A_129 : memref<2x80xi32, #tpu.memory_space<hbm>>) dst(%dma_wait3A_125 : memref<2x80xi32, #tpu.memory_space<vmem>>)
          %dma_start3A_130 = arith.constant 3 : i32
          %dma_start3A_131 = arith.constant 0 : i32
          %dma_start3A_132 = arith.constant 0 : i32
          %dma_start3A_133 = tpu.memref_slice %arg6[%dma_start3A_130, %dma_start3A_131, %dma_start3A_132] : memref<4x2x80xi32, #tpu.memory_space<vmem>> -> memref<1x1x80xi32, #tpu.memory_space<vmem>>
          %dma_start3A_134 = tpu.memref_squeeze %dma_start3A_133 : memref<1x1x80xi32, #tpu.memory_space<vmem>> -> memref<80xi32, #tpu.memory_space<vmem>>
          %dma_start3A_135 = arith.constant 0 : i32
          %dma_start3A_136 = arith.constant 0 : i32
          %dma_start3A_137 = tpu.memref_slice %arg2[%dma_start3A_135, %dma_start3A_136] : memref<20480x128xf32, #tpu.memory_space<hbm>> -> memref<20480x128xf32, #tpu.memory_space<hbm>>
          tpu.enqueue_indirect_dma source(%dma_start3A_137 : memref<20480x128xf32, #tpu.memory_space<hbm>>) target(%arg10 : memref<80x128xf32, #tpu.memory_space<vmem>>) offsets(%dma_start3A_134 : memref<80xi32, #tpu.memory_space<vmem>>) semaphore(%arg19 : memref<!tpu.dma_semaphore, #tpu.memory_space<semaphore_mem>>)
        } else {
        }
      } else {
      }
      %rem3A_65 = arith.constant 4 : i32
      %rem3A_66 = arith.remsi %add3A_61, %rem3A_65 : i32
      %eq3A_67 = arith.constant 1 : i32
      %eq3A_68 = arith.cmpi eq, %rem3A_66, %eq3A_67 : i32
      %convert_element_type3A_69 = arith.extui %eq3A_68 : i1 to i32
      %cond3A_70 = arith.constant 0 : i32
      %cond3A_71 = arith.cmpi ne, %convert_element_type3A_69, %cond3A_70 : i32
      scf.if %cond3A_71 {
        %dma_wait3A = arith.constant 1 : i32
        %dma_wait3A_86 = arith.constant 0 : i32
        %dma_wait3A_87 = arith.constant 0 : i32
        %dma_wait3A_88 = tpu.memref_slice %arg6[%dma_wait3A, %dma_wait3A_86, %dma_wait3A_87] : memref<4x2x80xi32, #tpu.memory_space<vmem>> -> memref<1x1x80xi32, #tpu.memory_space<vmem>>
        %dma_wait3A_89 = tpu.memref_squeeze %dma_wait3A_88 : memref<1x1x80xi32, #tpu.memory_space<vmem>> -> memref<80xi32, #tpu.memory_space<vmem>>
        %dma_wait3A_90 = arith.constant 0 : i32
        %dma_wait3A_91 = arith.constant 0 : i32
        %dma_wait3A_92 = tpu.memref_slice %arg2[%dma_wait3A_90, %dma_wait3A_91] : memref<20480x128xf32, #tpu.memory_space<hbm>> -> memref<20480x128xf32, #tpu.memory_space<hbm>>
        tpu.wait_indirect_dma semaphore(%arg17 : memref<!tpu.dma_semaphore, #tpu.memory_space<semaphore_mem>>) src(%dma_wait3A_92 : memref<20480x128xf32, #tpu.memory_space<hbm>>) dst(%arg8 : memref<80x128xf32, #tpu.memory_space<vmem>>)
        %run_scoped3A_93 = arith.constant 1 : i32
        %run_scoped3A_94 = arith.constant 1 : i32
        "tpu.region"() ({
          %run_scoped3A_109 = tpu.sem_alloc : memref<!tpu.dma_semaphore, #tpu.memory_space<semaphore_mem>>
          %dma_start3A_110 = arith.constant 0 : i32
          %dma_start3A_111 = tpu.memref_slice %arg6[%run_scoped3A_93, %run_scoped3A_94, %dma_start3A_110] : memref<4x2x80xi32, #tpu.memory_space<vmem>> -> memref<1x1x80xi32, #tpu.memory_space<vmem>>
          %dma_start3A_112 = tpu.memref_squeeze %dma_start3A_111 : memref<1x1x80xi32, #tpu.memory_space<vmem>> -> memref<80xi32, #tpu.memory_space<vmem>>
          %dma_start3A_113 = arith.constant 0 : i32
          %dma_start3A_114 = arith.constant 0 : i32
          %dma_start3A_115 = tpu.memref_slice %arg11[%dma_start3A_113, %dma_start3A_114] : memref<10240x128xf32, #tpu.memory_space<vmem_shared>> -> memref<10240x128xf32, #tpu.memory_space<vmem_shared>>
          tpu.enqueue_indirect_dma source(%arg8 : memref<80x128xf32, #tpu.memory_space<vmem>>) target(%dma_start3A_115 : memref<10240x128xf32, #tpu.memory_space<vmem_shared>>) offsets(%dma_start3A_112 : memref<80xi32, #tpu.memory_space<vmem>>) semaphore(%run_scoped3A_109 : memref<!tpu.dma_semaphore, #tpu.memory_space<semaphore_mem>>) {add = true}
          %dma_wait3A_116 = arith.constant 0 : i32
          %dma_wait3A_117 = tpu.memref_slice %arg6[%run_scoped3A_93, %run_scoped3A_94, %dma_wait3A_116] : memref<4x2x80xi32, #tpu.memory_space<vmem>> -> memref<1x1x80xi32, #tpu.memory_space<vmem>>
          %dma_wait3A_118 = tpu.memref_squeeze %dma_wait3A_117 : memref<1x1x80xi32, #tpu.memory_space<vmem>> -> memref<80xi32, #tpu.memory_space<vmem>>
          %dma_wait3A_119 = arith.constant 0 : i32
          %dma_wait3A_120 = arith.constant 0 : i32
          %dma_wait3A_121 = tpu.memref_slice %arg11[%dma_wait3A_119, %dma_wait3A_120] : memref<10240x128xf32, #tpu.memory_space<vmem_shared>> -> memref<10240x128xf32, #tpu.memory_space<vmem_shared>>
          tpu.wait_indirect_dma semaphore(%run_scoped3A_109 : memref<!tpu.dma_semaphore, #tpu.memory_space<semaphore_mem>>) src(%arg8 : memref<80x128xf32, #tpu.memory_space<vmem>>) dst(%dma_wait3A_121 : memref<10240x128xf32, #tpu.memory_space<vmem_shared>>)
          tpu.yield
        }) : () -> ()
        %add3A_95 = arith.constant 4 : i32
        %add3A_96 = arith.addi %add3A_61, %add3A_95 : i32
        %lt3A = arith.constant 250 : i32
        %lt3A_97 = arith.cmpi slt, %add3A_96, %lt3A : i32
        %convert_element_type3A_98 = arith.extui %lt3A_97 : i1 to i32
        %cond3A_99 = arith.constant 0 : i32
        %cond3A_100 = arith.cmpi ne, %convert_element_type3A_98, %cond3A_99 : i32
        scf.if %cond3A_100 {
          %add3A_109 = arith.constant 4 : i32
          %add3A_110 = arith.addi %add3A_61, %add3A_109 : i32
          %dma_start3A_111 = arith.constant 1 : i32
          %dma_start3A_112 = arith.constant 0 : i32
          %dma_start3A_113 = arith.constant 0 : i32
          %dma_start3A_114 = tpu.memref_slice %arg6[%dma_start3A_111, %dma_start3A_112, %dma_start3A_113] : memref<4x2x80xi32, #tpu.memory_space<vmem>> -> memref<1x2x80xi32, #tpu.memory_space<vmem>>
          %dma_start3A_115 = tpu.memref_squeeze %dma_start3A_114 : memref<1x2x80xi32, #tpu.memory_space<vmem>> -> memref<2x80xi32, #tpu.memory_space<vmem>>
          %dma_start3A_116 = arith.constant 0 : i32
          %dma_start3A_117 = arith.constant 0 : i32
          %dma_start3A_118 = tpu.memref_slice %arg3[%arg0, %arg1, %add3A_110, %dma_start3A_116, %dma_start3A_117] : memref<2x16x250x2x80xi32, #tpu.memory_space<hbm>> -> memref<1x1x1x2x80xi32, #tpu.memory_space<hbm>>
          %dma_start3A_119 = tpu.memref_squeeze %dma_start3A_118 : memref<1x1x1x2x80xi32, #tpu.memory_space<hbm>> -> memref<2x80xi32, #tpu.memory_space<hbm>>
          %dma_start3A_120 = arith.constant 0 : i32
          %dma_start3A_121 = arith.constant 0 : i32
          %dma_start3A_122 = tpu.memref_slice %arg6[%dma_start3A_111, %dma_start3A_120, %dma_start3A_121] : memref<4x2x80xi32, #tpu.memory_space<vmem>> -> memref<1x2x80xi32, #tpu.memory_space<vmem>>
          %dma_start3A_123 = tpu.memref_squeeze %dma_start3A_122 : memref<1x2x80xi32, #tpu.memory_space<vmem>> -> memref<2x80xi32, #tpu.memory_space<vmem>>
          %dma_start3A_124 = arith.constant 0 : i32
          %dma_start3A_125 = arith.constant 0 : i32
          %dma_start3A_126 = tpu.memref_slice %arg3[%arg0, %arg1, %add3A_110, %dma_start3A_124, %dma_start3A_125] : memref<2x16x250x2x80xi32, #tpu.memory_space<hbm>> -> memref<1x1x1x2x80xi32, #tpu.memory_space<hbm>>
          %dma_start3A_127 = tpu.memref_squeeze %dma_start3A_126 : memref<1x1x1x2x80xi32, #tpu.memory_space<hbm>> -> memref<2x80xi32, #tpu.memory_space<hbm>>
          tpu.enqueue_dma source(%dma_start3A_127 : memref<2x80xi32, #tpu.memory_space<hbm>>) target(%dma_start3A_123 : memref<2x80xi32, #tpu.memory_space<vmem>>) target_semaphore(%arg13 : memref<!tpu.dma_semaphore, #tpu.memory_space<semaphore_mem>>)
        } else {
        }
        %add3A_101 = arith.constant 4 : i32
        %add3A_102 = arith.addi %add3A_61, %add3A_101 : i32
        %sub3A = arith.constant 1 : i32
        %sub3A_103 = arith.subi %add3A_102, %sub3A : i32
        %lt3A_104 = arith.constant 250 : i32
        %lt3A_105 = arith.cmpi slt, %sub3A_103, %lt3A_104 : i32
        %convert_element_type3A_106 = arith.extui %lt3A_105 : i1 to i32
        %cond3A_107 = arith.constant 0 : i32
        %cond3A_108 = arith.cmpi ne, %convert_element_type3A_106, %cond3A_107 : i32
        scf.if %cond3A_108 {
          %add3A_109 = arith.constant 4 : i32
          %add3A_110 = arith.addi %add3A_61, %add3A_109 : i32
          %sub3A_111 = arith.constant 1 : i32
          %sub3A_112 = arith.subi %add3A_110, %sub3A_111 : i32
          %dma_wait3A_113 = arith.constant 0 : i32
          %dma_wait3A_114 = arith.constant 0 : i32
          %dma_wait3A_115 = arith.constant 0 : i32
          %dma_wait3A_116 = tpu.memref_slice %arg6[%dma_wait3A_113, %dma_wait3A_114, %dma_wait3A_115] : memref<4x2x80xi32, #tpu.memory_space<vmem>> -> memref<1x2x80xi32, #tpu.memory_space<vmem>>
          %dma_wait3A_117 = tpu.memref_squeeze %dma_wait3A_116 : memref<1x2x80xi32, #tpu.memory_space<vmem>> -> memref<2x80xi32, #tpu.memory_space<vmem>>
          %dma_wait3A_118 = arith.constant 0 : i32
          %dma_wait3A_119 = arith.constant 0 : i32
          %dma_wait3A_120 = tpu.memref_slice %arg3[%arg0, %arg1, %sub3A_112, %dma_wait3A_118, %dma_wait3A_119] : memref<2x16x250x2x80xi32, #tpu.memory_space<hbm>> -> memref<1x1x1x2x80xi32, #tpu.memory_space<hbm>>
          %dma_wait3A_121 = tpu.memref_squeeze %dma_wait3A_120 : memref<1x1x1x2x80xi32, #tpu.memory_space<hbm>> -> memref<2x80xi32, #tpu.memory_space<hbm>>
          %dma_wait3A_122 = arith.constant 0 : i32
          %dma_wait3A_123 = arith.constant 0 : i32
          %dma_wait3A_124 = tpu.memref_slice %arg6[%dma_wait3A_113, %dma_wait3A_122, %dma_wait3A_123] : memref<4x2x80xi32, #tpu.memory_space<vmem>> -> memref<1x2x80xi32, #tpu.memory_space<vmem>>
          %dma_wait3A_125 = tpu.memref_squeeze %dma_wait3A_124 : memref<1x2x80xi32, #tpu.memory_space<vmem>> -> memref<2x80xi32, #tpu.memory_space<vmem>>
          %dma_wait3A_126 = arith.constant 0 : i32
          %dma_wait3A_127 = arith.constant 0 : i32
          %dma_wait3A_128 = tpu.memref_slice %arg3[%arg0, %arg1, %sub3A_112, %dma_wait3A_126, %dma_wait3A_127] : memref<2x16x250x2x80xi32, #tpu.memory_space<hbm>> -> memref<1x1x1x2x80xi32, #tpu.memory_space<hbm>>
          %dma_wait3A_129 = tpu.memref_squeeze %dma_wait3A_128 : memref<1x1x1x2x80xi32, #tpu.memory_space<hbm>> -> memref<2x80xi32, #tpu.memory_space<hbm>>
          tpu.wait_dma2 semaphore(%arg12 : memref<!tpu.dma_semaphore, #tpu.memory_space<semaphore_mem>>) src(%dma_wait3A_129 : memref<2x80xi32, #tpu.memory_space<hbm>>) dst(%dma_wait3A_125 : memref<2x80xi32, #tpu.memory_space<vmem>>)
          %dma_start3A_130 = arith.constant 0 : i32
          %dma_start3A_131 = arith.constant 0 : i32
          %dma_start3A_132 = arith.constant 0 : i32
          %dma_start3A_133 = tpu.memref_slice %arg6[%dma_start3A_130, %dma_start3A_131, %dma_start3A_132] : memref<4x2x80xi32, #tpu.memory_space<vmem>> -> memref<1x1x80xi32, #tpu.memory_space<vmem>>
          %dma_start3A_134 = tpu.memref_squeeze %dma_start3A_133 : memref<1x1x80xi32, #tpu.memory_space<vmem>> -> memref<80xi32, #tpu.memory_space<vmem>>
          %dma_start3A_135 = arith.constant 0 : i32
          %dma_start3A_136 = arith.constant 0 : i32
          %dma_start3A_137 = tpu.memref_slice %arg2[%dma_start3A_135, %dma_start3A_136] : memref<20480x128xf32, #tpu.memory_space<hbm>> -> memref<20480x128xf32, #tpu.memory_space<hbm>>
          tpu.enqueue_indirect_dma source(%dma_start3A_137 : memref<20480x128xf32, #tpu.memory_space<hbm>>) target(%arg7 : memref<80x128xf32, #tpu.memory_space<vmem>>) offsets(%dma_start3A_134 : memref<80xi32, #tpu.memory_space<vmem>>) semaphore(%arg16 : memref<!tpu.dma_semaphore, #tpu.memory_space<semaphore_mem>>)
        } else {
        }
      } else {
      }
      %rem3A_72 = arith.constant 4 : i32
      %rem3A_73 = arith.remsi %add3A_61, %rem3A_72 : i32
      %eq3A_74 = arith.constant 2 : i32
      %eq3A_75 = arith.cmpi eq, %rem3A_73, %eq3A_74 : i32
      %convert_element_type3A_76 = arith.extui %eq3A_75 : i1 to i32
      %cond3A_77 = arith.constant 0 : i32
      %cond3A_78 = arith.cmpi ne, %convert_element_type3A_76, %cond3A_77 : i32
      scf.if %cond3A_78 {
        %dma_wait3A = arith.constant 2 : i32
        %dma_wait3A_86 = arith.constant 0 : i32
        %dma_wait3A_87 = arith.constant 0 : i32
        %dma_wait3A_88 = tpu.memref_slice %arg6[%dma_wait3A, %dma_wait3A_86, %dma_wait3A_87] : memref<4x2x80xi32, #tpu.memory_space<vmem>> -> memref<1x1x80xi32, #tpu.memory_space<vmem>>
        %dma_wait3A_89 = tpu.memref_squeeze %dma_wait3A_88 : memref<1x1x80xi32, #tpu.memory_space<vmem>> -> memref<80xi32, #tpu.memory_space<vmem>>
        %dma_wait3A_90 = arith.constant 0 : i32
        %dma_wait3A_91 = arith.constant 0 : i32
        %dma_wait3A_92 = tpu.memref_slice %arg2[%dma_wait3A_90, %dma_wait3A_91] : memref<20480x128xf32, #tpu.memory_space<hbm>> -> memref<20480x128xf32, #tpu.memory_space<hbm>>
        tpu.wait_indirect_dma semaphore(%arg18 : memref<!tpu.dma_semaphore, #tpu.memory_space<semaphore_mem>>) src(%dma_wait3A_92 : memref<20480x128xf32, #tpu.memory_space<hbm>>) dst(%arg9 : memref<80x128xf32, #tpu.memory_space<vmem>>)
        %run_scoped3A_93 = arith.constant 2 : i32
        %run_scoped3A_94 = arith.constant 1 : i32
        "tpu.region"() ({
          %run_scoped3A_109 = tpu.sem_alloc : memref<!tpu.dma_semaphore, #tpu.memory_space<semaphore_mem>>
          %dma_start3A_110 = arith.constant 0 : i32
          %dma_start3A_111 = tpu.memref_slice %arg6[%run_scoped3A_93, %run_scoped3A_94, %dma_start3A_110] : memref<4x2x80xi32, #tpu.memory_space<vmem>> -> memref<1x1x80xi32, #tpu.memory_space<vmem>>
          %dma_start3A_112 = tpu.memref_squeeze %dma_start3A_111 : memref<1x1x80xi32, #tpu.memory_space<vmem>> -> memref<80xi32, #tpu.memory_space<vmem>>
          %dma_start3A_113 = arith.constant 0 : i32
          %dma_start3A_114 = arith.constant 0 : i32
          %dma_start3A_115 = tpu.memref_slice %arg11[%dma_start3A_113, %dma_start3A_114] : memref<10240x128xf32, #tpu.memory_space<vmem_shared>> -> memref<10240x128xf32, #tpu.memory_space<vmem_shared>>
          tpu.enqueue_indirect_dma source(%arg9 : memref<80x128xf32, #tpu.memory_space<vmem>>) target(%dma_start3A_115 : memref<10240x128xf32, #tpu.memory_space<vmem_shared>>) offsets(%dma_start3A_112 : memref<80xi32, #tpu.memory_space<vmem>>) semaphore(%run_scoped3A_109 : memref<!tpu.dma_semaphore, #tpu.memory_space<semaphore_mem>>) {add = true}
          %dma_wait3A_116 = arith.constant 0 : i32
          %dma_wait3A_117 = tpu.memref_slice %arg6[%run_scoped3A_93, %run_scoped3A_94, %dma_wait3A_116] : memref<4x2x80xi32, #tpu.memory_space<vmem>> -> memref<1x1x80xi32, #tpu.memory_space<vmem>>
          %dma_wait3A_118 = tpu.memref_squeeze %dma_wait3A_117 : memref<1x1x80xi32, #tpu.memory_space<vmem>> -> memref<80xi32, #tpu.memory_space<vmem>>
          %dma_wait3A_119 = arith.constant 0 : i32
          %dma_wait3A_120 = arith.constant 0 : i32
          %dma_wait3A_121 = tpu.memref_slice %arg11[%dma_wait3A_119, %dma_wait3A_120] : memref<10240x128xf32, #tpu.memory_space<vmem_shared>> -> memref<10240x128xf32, #tpu.memory_space<vmem_shared>>
          tpu.wait_indirect_dma semaphore(%run_scoped3A_109 : memref<!tpu.dma_semaphore, #tpu.memory_space<semaphore_mem>>) src(%arg9 : memref<80x128xf32, #tpu.memory_space<vmem>>) dst(%dma_wait3A_121 : memref<10240x128xf32, #tpu.memory_space<vmem_shared>>)
          tpu.yield
        }) : () -> ()
        %add3A_95 = arith.constant 4 : i32
        %add3A_96 = arith.addi %add3A_61, %add3A_95 : i32
        %lt3A = arith.constant 250 : i32
        %lt3A_97 = arith.cmpi slt, %add3A_96, %lt3A : i32
        %convert_element_type3A_98 = arith.extui %lt3A_97 : i1 to i32
        %cond3A_99 = arith.constant 0 : i32
        %cond3A_100 = arith.cmpi ne, %convert_element_type3A_98, %cond3A_99 : i32
        scf.if %cond3A_100 {
          %add3A_109 = arith.constant 4 : i32
          %add3A_110 = arith.addi %add3A_61, %add3A_109 : i32
          %dma_start3A_111 = arith.constant 2 : i32
          %dma_start3A_112 = arith.constant 0 : i32
          %dma_start3A_113 = arith.constant 0 : i32
          %dma_start3A_114 = tpu.memref_slice %arg6[%dma_start3A_111, %dma_start3A_112, %dma_start3A_113] : memref<4x2x80xi32, #tpu.memory_space<vmem>> -> memref<1x2x80xi32, #tpu.memory_space<vmem>>
          %dma_start3A_115 = tpu.memref_squeeze %dma_start3A_114 : memref<1x2x80xi32, #tpu.memory_space<vmem>> -> memref<2x80xi32, #tpu.memory_space<vmem>>
          %dma_start3A_116 = arith.constant 0 : i32
          %dma_start3A_117 = arith.constant 0 : i32
          %dma_start3A_118 = tpu.memref_slice %arg3[%arg0, %arg1, %add3A_110, %dma_start3A_116, %dma_start3A_117] : memref<2x16x250x2x80xi32, #tpu.memory_space<hbm>> -> memref<1x1x1x2x80xi32, #tpu.memory_space<hbm>>
          %dma_start3A_119 = tpu.memref_squeeze %dma_start3A_118 : memref<1x1x1x2x80xi32, #tpu.memory_space<hbm>> -> memref<2x80xi32, #tpu.memory_space<hbm>>
          %dma_start3A_120 = arith.constant 0 : i32
          %dma_start3A_121 = arith.constant 0 : i32
          %dma_start3A_122 = tpu.memref_slice %arg6[%dma_start3A_111, %dma_start3A_120, %dma_start3A_121] : memref<4x2x80xi32, #tpu.memory_space<vmem>> -> memref<1x2x80xi32, #tpu.memory_space<vmem>>
          %dma_start3A_123 = tpu.memref_squeeze %dma_start3A_122 : memref<1x2x80xi32, #tpu.memory_space<vmem>> -> memref<2x80xi32, #tpu.memory_space<vmem>>
          %dma_start3A_124 = arith.constant 0 : i32
          %dma_start3A_125 = arith.constant 0 : i32
          %dma_start3A_126 = tpu.memref_slice %arg3[%arg0, %arg1, %add3A_110, %dma_start3A_124, %dma_start3A_125] : memref<2x16x250x2x80xi32, #tpu.memory_space<hbm>> -> memref<1x1x1x2x80xi32, #tpu.memory_space<hbm>>
          %dma_start3A_127 = tpu.memref_squeeze %dma_start3A_126 : memref<1x1x1x2x80xi32, #tpu.memory_space<hbm>> -> memref<2x80xi32, #tpu.memory_space<hbm>>
          tpu.enqueue_dma source(%dma_start3A_127 : memref<2x80xi32, #tpu.memory_space<hbm>>) target(%dma_start3A_123 : memref<2x80xi32, #tpu.memory_space<vmem>>) target_semaphore(%arg14 : memref<!tpu.dma_semaphore, #tpu.memory_space<semaphore_mem>>)
        } else {
        }
        %add3A_101 = arith.constant 4 : i32
        %add3A_102 = arith.addi %add3A_61, %add3A_101 : i32
        %sub3A = arith.constant 1 : i32
        %sub3A_103 = arith.subi %add3A_102, %sub3A : i32
        %lt3A_104 = arith.constant 250 : i32
        %lt3A_105 = arith.cmpi slt, %sub3A_103, %lt3A_104 : i32
        %convert_element_type3A_106 = arith.extui %lt3A_105 : i1 to i32
        %cond3A_107 = arith.constant 0 : i32
        %cond3A_108 = arith.cmpi ne, %convert_element_type3A_106, %cond3A_107 : i32
        scf.if %cond3A_108 {
          %add3A_109 = arith.constant 4 : i32
          %add3A_110 = arith.addi %add3A_61, %add3A_109 : i32
          %sub3A_111 = arith.constant 1 : i32
          %sub3A_112 = arith.subi %add3A_110, %sub3A_111 : i32
          %dma_wait3A_113 = arith.constant 1 : i32
          %dma_wait3A_114 = arith.constant 0 : i32
          %dma_wait3A_115 = arith.constant 0 : i32
          %dma_wait3A_116 = tpu.memref_slice %arg6[%dma_wait3A_113, %dma_wait3A_114, %dma_wait3A_115] : memref<4x2x80xi32, #tpu.memory_space<vmem>> -> memref<1x2x80xi32, #tpu.memory_space<vmem>>
          %dma_wait3A_117 = tpu.memref_squeeze %dma_wait3A_116 : memref<1x2x80xi32, #tpu.memory_space<vmem>> -> memref<2x80xi32, #tpu.memory_space<vmem>>
          %dma_wait3A_118 = arith.constant 0 : i32
          %dma_wait3A_119 = arith.constant 0 : i32
          %dma_wait3A_120 = tpu.memref_slice %arg3[%arg0, %arg1, %sub3A_112, %dma_wait3A_118, %dma_wait3A_119] : memref<2x16x250x2x80xi32, #tpu.memory_space<hbm>> -> memref<1x1x1x2x80xi32, #tpu.memory_space<hbm>>
          %dma_wait3A_121 = tpu.memref_squeeze %dma_wait3A_120 : memref<1x1x1x2x80xi32, #tpu.memory_space<hbm>> -> memref<2x80xi32, #tpu.memory_space<hbm>>
          %dma_wait3A_122 = arith.constant 0 : i32
          %dma_wait3A_123 = arith.constant 0 : i32
          %dma_wait3A_124 = tpu.memref_slice %arg6[%dma_wait3A_113, %dma_wait3A_122, %dma_wait3A_123] : memref<4x2x80xi32, #tpu.memory_space<vmem>> -> memref<1x2x80xi32, #tpu.memory_space<vmem>>
          %dma_wait3A_125 = tpu.memref_squeeze %dma_wait3A_124 : memref<1x2x80xi32, #tpu.memory_space<vmem>> -> memref<2x80xi32, #tpu.memory_space<vmem>>
          %dma_wait3A_126 = arith.constant 0 : i32
          %dma_wait3A_127 = arith.constant 0 : i32
          %dma_wait3A_128 = tpu.memref_slice %arg3[%arg0, %arg1, %sub3A_112, %dma_wait3A_126, %dma_wait3A_127] : memref<2x16x250x2x80xi32, #tpu.memory_space<hbm>> -> memref<1x1x1x2x80xi32, #tpu.memory_space<hbm>>
          %dma_wait3A_129 = tpu.memref_squeeze %dma_wait3A_128 : memref<1x1x1x2x80xi32, #tpu.memory_space<hbm>> -> memref<2x80xi32, #tpu.memory_space<hbm>>
          tpu.wait_dma2 semaphore(%arg13 : memref<!tpu.dma_semaphore, #tpu.memory_space<semaphore_mem>>) src(%dma_wait3A_129 : memref<2x80xi32, #tpu.memory_space<hbm>>) dst(%dma_wait3A_125 : memref<2x80xi32, #tpu.memory_space<vmem>>)
          %dma_start3A_130 = arith.constant 1 : i32
          %dma_start3A_131 = arith.constant 0 : i32
          %dma_start3A_132 = arith.constant 0 : i32
          %dma_start3A_133 = tpu.memref_slice %arg6[%dma_start3A_130, %dma_start3A_131, %dma_start3A_132] : memref<4x2x80xi32, #tpu.memory_space<vmem>> -> memref<1x1x80xi32, #tpu.memory_space<vmem>>
          %dma_start3A_134 = tpu.memref_squeeze %dma_start3A_133 : memref<1x1x80xi32, #tpu.memory_space<vmem>> -> memref<80xi32, #tpu.memory_space<vmem>>
          %dma_start3A_135 = arith.constant 0 : i32
          %dma_start3A_136 = arith.constant 0 : i32
          %dma_start3A_137 = tpu.memref_slice %arg2[%dma_start3A_135, %dma_start3A_136] : memref<20480x128xf32, #tpu.memory_space<hbm>> -> memref<20480x128xf32, #tpu.memory_space<hbm>>
          tpu.enqueue_indirect_dma source(%dma_start3A_137 : memref<20480x128xf32, #tpu.memory_space<hbm>>) target(%arg8 : memref<80x128xf32, #tpu.memory_space<vmem>>) offsets(%dma_start3A_134 : memref<80xi32, #tpu.memory_space<vmem>>) semaphore(%arg17 : memref<!tpu.dma_semaphore, #tpu.memory_space<semaphore_mem>>)
        } else {
        }
      } else {
      }
      %rem3A_79 = arith.constant 4 : i32
      %rem3A_80 = arith.remsi %add3A_61, %rem3A_79 : i32
      %eq3A_81 = arith.constant 3 : i32
      %eq3A_82 = arith.cmpi eq, %rem3A_80, %eq3A_81 : i32
      %convert_element_type3A_83 = arith.extui %eq3A_82 : i1 to i32
      %cond3A_84 = arith.constant 0 : i32
      %cond3A_85 = arith.cmpi ne, %convert_element_type3A_83, %cond3A_84 : i32
      scf.if %cond3A_85 {
        %dma_wait3A = arith.constant 3 : i32
        %dma_wait3A_86 = arith.constant 0 : i32
        %dma_wait3A_87 = arith.constant 0 : i32
        %dma_wait3A_88 = tpu.memref_slice %arg6[%dma_wait3A, %dma_wait3A_86, %dma_wait3A_87] : memref<4x2x80xi32, #tpu.memory_space<vmem>> -> memref<1x1x80xi32, #tpu.memory_space<vmem>>
        %dma_wait3A_89 = tpu.memref_squeeze %dma_wait3A_88 : memref<1x1x80xi32, #tpu.memory_space<vmem>> -> memref<80xi32, #tpu.memory_space<vmem>>
        %dma_wait3A_90 = arith.constant 0 : i32
        %dma_wait3A_91 = arith.constant 0 : i32
        %dma_wait3A_92 = tpu.memref_slice %arg2[%dma_wait3A_90, %dma_wait3A_91] : memref<20480x128xf32, #tpu.memory_space<hbm>> -> memref<20480x128xf32, #tpu.memory_space<hbm>>
        tpu.wait_indirect_dma semaphore(%arg19 : memref<!tpu.dma_semaphore, #tpu.memory_space<semaphore_mem>>) src(%dma_wait3A_92 : memref<20480x128xf32, #tpu.memory_space<hbm>>) dst(%arg10 : memref<80x128xf32, #tpu.memory_space<vmem>>)
        %run_scoped3A_93 = arith.constant 3 : i32
        %run_scoped3A_94 = arith.constant 1 : i32
        "tpu.region"() ({
          %run_scoped3A_109 = tpu.sem_alloc : memref<!tpu.dma_semaphore, #tpu.memory_space<semaphore_mem>>
          %dma_start3A_110 = arith.constant 0 : i32
          %dma_start3A_111 = tpu.memref_slice %arg6[%run_scoped3A_93, %run_scoped3A_94, %dma_start3A_110] : memref<4x2x80xi32, #tpu.memory_space<vmem>> -> memref<1x1x80xi32, #tpu.memory_space<vmem>>
          %dma_start3A_112 = tpu.memref_squeeze %dma_start3A_111 : memref<1x1x80xi32, #tpu.memory_space<vmem>> -> memref<80xi32, #tpu.memory_space<vmem>>
          %dma_start3A_113 = arith.constant 0 : i32
          %dma_start3A_114 = arith.constant 0 : i32
          %dma_start3A_115 = tpu.memref_slice %arg11[%dma_start3A_113, %dma_start3A_114] : memref<10240x128xf32, #tpu.memory_space<vmem_shared>> -> memref<10240x128xf32, #tpu.memory_space<vmem_shared>>
          tpu.enqueue_indirect_dma source(%arg10 : memref<80x128xf32, #tpu.memory_space<vmem>>) target(%dma_start3A_115 : memref<10240x128xf32, #tpu.memory_space<vmem_shared>>) offsets(%dma_start3A_112 : memref<80xi32, #tpu.memory_space<vmem>>) semaphore(%run_scoped3A_109 : memref<!tpu.dma_semaphore, #tpu.memory_space<semaphore_mem>>) {add = true}
          %dma_wait3A_116 = arith.constant 0 : i32
          %dma_wait3A_117 = tpu.memref_slice %arg6[%run_scoped3A_93, %run_scoped3A_94, %dma_wait3A_116] : memref<4x2x80xi32, #tpu.memory_space<vmem>> -> memref<1x1x80xi32, #tpu.memory_space<vmem>>
          %dma_wait3A_118 = tpu.memref_squeeze %dma_wait3A_117 : memref<1x1x80xi32, #tpu.memory_space<vmem>> -> memref<80xi32, #tpu.memory_space<vmem>>
          %dma_wait3A_119 = arith.constant 0 : i32
          %dma_wait3A_120 = arith.constant 0 : i32
          %dma_wait3A_121 = tpu.memref_slice %arg11[%dma_wait3A_119, %dma_wait3A_120] : memref<10240x128xf32, #tpu.memory_space<vmem_shared>> -> memref<10240x128xf32, #tpu.memory_space<vmem_shared>>
          tpu.wait_indirect_dma semaphore(%run_scoped3A_109 : memref<!tpu.dma_semaphore, #tpu.memory_space<semaphore_mem>>) src(%arg10 : memref<80x128xf32, #tpu.memory_space<vmem>>) dst(%dma_wait3A_121 : memref<10240x128xf32, #tpu.memory_space<vmem_shared>>)
          tpu.yield
        }) : () -> ()
        %add3A_95 = arith.constant 4 : i32
        %add3A_96 = arith.addi %add3A_61, %add3A_95 : i32
        %lt3A = arith.constant 250 : i32
        %lt3A_97 = arith.cmpi slt, %add3A_96, %lt3A : i32
        %convert_element_type3A_98 = arith.extui %lt3A_97 : i1 to i32
        %cond3A_99 = arith.constant 0 : i32
        %cond3A_100 = arith.cmpi ne, %convert_element_type3A_98, %cond3A_99 : i32
        scf.if %cond3A_100 {
          %add3A_109 = arith.constant 4 : i32
          %add3A_110 = arith.addi %add3A_61, %add3A_109 : i32
          %dma_start3A_111 = arith.constant 3 : i32
          %dma_start3A_112 = arith.constant 0 : i32
          %dma_start3A_113 = arith.constant 0 : i32
          %dma_start3A_114 = tpu.memref_slice %arg6[%dma_start3A_111, %dma_start3A_112, %dma_start3A_113] : memref<4x2x80xi32, #tpu.memory_space<vmem>> -> memref<1x2x80xi32, #tpu.memory_space<vmem>>
          %dma_start3A_115 = tpu.memref_squeeze %dma_start3A_114 : memref<1x2x80xi32, #tpu.memory_space<vmem>> -> memref<2x80xi32, #tpu.memory_space<vmem>>
          %dma_start3A_116 = arith.constant 0 : i32
          %dma_start3A_117 = arith.constant 0 : i32
          %dma_start3A_118 = tpu.memref_slice %arg3[%arg0, %arg1, %add3A_110, %dma_start3A_116, %dma_start3A_117] : memref<2x16x250x2x80xi32, #tpu.memory_space<hbm>> -> memref<1x1x1x2x80xi32, #tpu.memory_space<hbm>>
          %dma_start3A_119 = tpu.memref_squeeze %dma_start3A_118 : memref<1x1x1x2x80xi32, #tpu.memory_space<hbm>> -> memref<2x80xi32, #tpu.memory_space<hbm>>
          %dma_start3A_120 = arith.constant 0 : i32
          %dma_start3A_121 = arith.constant 0 : i32
          %dma_start3A_122 = tpu.memref_slice %arg6[%dma_start3A_111, %dma_start3A_120, %dma_start3A_121] : memref<4x2x80xi32, #tpu.memory_space<vmem>> -> memref<1x2x80xi32, #tpu.memory_space<vmem>>
          %dma_start3A_123 = tpu.memref_squeeze %dma_start3A_122 : memref<1x2x80xi32, #tpu.memory_space<vmem>> -> memref<2x80xi32, #tpu.memory_space<vmem>>
          %dma_start3A_124 = arith.constant 0 : i32
          %dma_start3A_125 = arith.constant 0 : i32
          %dma_start3A_126 = tpu.memref_slice %arg3[%arg0, %arg1, %add3A_110, %dma_start3A_124, %dma_start3A_125] : memref<2x16x250x2x80xi32, #tpu.memory_space<hbm>> -> memref<1x1x1x2x80xi32, #tpu.memory_space<hbm>>
          %dma_start3A_127 = tpu.memref_squeeze %dma_start3A_126 : memref<1x1x1x2x80xi32, #tpu.memory_space<hbm>> -> memref<2x80xi32, #tpu.memory_space<hbm>>
          tpu.enqueue_dma source(%dma_start3A_127 : memref<2x80xi32, #tpu.memory_space<hbm>>) target(%dma_start3A_123 : memref<2x80xi32, #tpu.memory_space<vmem>>) target_semaphore(%arg15 : memref<!tpu.dma_semaphore, #tpu.memory_space<semaphore_mem>>)
        } else {
        }
        %add3A_101 = arith.constant 4 : i32
        %add3A_102 = arith.addi %add3A_61, %add3A_101 : i32
        %sub3A = arith.constant 1 : i32
        %sub3A_103 = arith.subi %add3A_102, %sub3A : i32
        %lt3A_104 = arith.constant 250 : i32
        %lt3A_105 = arith.cmpi slt, %sub3A_103, %lt3A_104 : i32
        %convert_element_type3A_106 = arith.extui %lt3A_105 : i1 to i32
        %cond3A_107 = arith.constant 0 : i32
        %cond3A_108 = arith.cmpi ne, %convert_element_type3A_106, %cond3A_107 : i32
        scf.if %cond3A_108 {
          %add3A_109 = arith.constant 4 : i32
          %add3A_110 = arith.addi %add3A_61, %add3A_109 : i32
          %sub3A_111 = arith.constant 1 : i32
          %sub3A_112 = arith.subi %add3A_110, %sub3A_111 : i32
          %dma_wait3A_113 = arith.constant 2 : i32
          %dma_wait3A_114 = arith.constant 0 : i32
          %dma_wait3A_115 = arith.constant 0 : i32
          %dma_wait3A_116 = tpu.memref_slice %arg6[%dma_wait3A_113, %dma_wait3A_114, %dma_wait3A_115] : memref<4x2x80xi32, #tpu.memory_space<vmem>> -> memref<1x2x80xi32, #tpu.memory_space<vmem>>
          %dma_wait3A_117 = tpu.memref_squeeze %dma_wait3A_116 : memref<1x2x80xi32, #tpu.memory_space<vmem>> -> memref<2x80xi32, #tpu.memory_space<vmem>>
          %dma_wait3A_118 = arith.constant 0 : i32
          %dma_wait3A_119 = arith.constant 0 : i32
          %dma_wait3A_120 = tpu.memref_slice %arg3[%arg0, %arg1, %sub3A_112, %dma_wait3A_118, %dma_wait3A_119] : memref<2x16x250x2x80xi32, #tpu.memory_space<hbm>> -> memref<1x1x1x2x80xi32, #tpu.memory_space<hbm>>
          %dma_wait3A_121 = tpu.memref_squeeze %dma_wait3A_120 : memref<1x1x1x2x80xi32, #tpu.memory_space<hbm>> -> memref<2x80xi32, #tpu.memory_space<hbm>>
          %dma_wait3A_122 = arith.constant 0 : i32
          %dma_wait3A_123 = arith.constant 0 : i32
          %dma_wait3A_124 = tpu.memref_slice %arg6[%dma_wait3A_113, %dma_wait3A_122, %dma_wait3A_123] : memref<4x2x80xi32, #tpu.memory_space<vmem>> -> memref<1x2x80xi32, #tpu.memory_space<vmem>>
          %dma_wait3A_125 = tpu.memref_squeeze %dma_wait3A_124 : memref<1x2x80xi32, #tpu.memory_space<vmem>> -> memref<2x80xi32, #tpu.memory_space<vmem>>
          %dma_wait3A_126 = arith.constant 0 : i32
          %dma_wait3A_127 = arith.constant 0 : i32
          %dma_wait3A_128 = tpu.memref_slice %arg3[%arg0, %arg1, %sub3A_112, %dma_wait3A_126, %dma_wait3A_127] : memref<2x16x250x2x80xi32, #tpu.memory_space<hbm>> -> memref<1x1x1x2x80xi32, #tpu.memory_space<hbm>>
          %dma_wait3A_129 = tpu.memref_squeeze %dma_wait3A_128 : memref<1x1x1x2x80xi32, #tpu.memory_space<hbm>> -> memref<2x80xi32, #tpu.memory_space<hbm>>
          tpu.wait_dma2 semaphore(%arg14 : memref<!tpu.dma_semaphore, #tpu.memory_space<semaphore_mem>>) src(%dma_wait3A_129 : memref<2x80xi32, #tpu.memory_space<hbm>>) dst(%dma_wait3A_125 : memref<2x80xi32, #tpu.memory_space<vmem>>)
          %dma_start3A_130 = arith.constant 2 : i32
          %dma_start3A_131 = arith.constant 0 : i32
          %dma_start3A_132 = arith.constant 0 : i32
          %dma_start3A_133 = tpu.memref_slice %arg6[%dma_start3A_130, %dma_start3A_131, %dma_start3A_132] : memref<4x2x80xi32, #tpu.memory_space<vmem>> -> memref<1x1x80xi32, #tpu.memory_space<vmem>>
          %dma_start3A_134 = tpu.memref_squeeze %dma_start3A_133 : memref<1x1x80xi32, #tpu.memory_space<vmem>> -> memref<80xi32, #tpu.memory_space<vmem>>
          %dma_start3A_135 = arith.constant 0 : i32
          %dma_start3A_136 = arith.constant 0 : i32
          %dma_start3A_137 = tpu.memref_slice %arg2[%dma_start3A_135, %dma_start3A_136] : memref<20480x128xf32, #tpu.memory_space<hbm>> -> memref<20480x128xf32, #tpu.memory_space<hbm>>
          tpu.enqueue_indirect_dma source(%dma_start3A_137 : memref<20480x128xf32, #tpu.memory_space<hbm>>) target(%arg9 : memref<80x128xf32, #tpu.memory_space<vmem>>) offsets(%dma_start3A_134 : memref<80xi32, #tpu.memory_space<vmem>>) semaphore(%arg18 : memref<!tpu.dma_semaphore, #tpu.memory_space<semaphore_mem>>)
        } else {
        }
      } else {
      }
    }
    %scan3A_52 = arith.constant 250 : i32
    %barrier3A_53 = arith.constant 0 : index
    tpu.barrier barrier_id(%barrier3A_53)
    %mul3A_54 = arith.constant 640 : i32
    %mul3A_55 = arith.muli %arg1, %mul3A_54 : i32
    %mul3A_56 = arith.constant 640 : i32
    %mul3A_57 = arith.muli %arg1, %mul3A_56 : i32
    "tpu.region"() ({
      %run_scoped3A_58 = tpu.sem_alloc : memref<!tpu.dma_semaphore, #tpu.memory_space<semaphore_mem>>
      %dma_start3A_59 = arith.constant 0 : i32
      %dma_start3A_60 = tpu.memref_slice %arg5[%arg0, %mul3A_57, %dma_start3A_59] : memref<2x10240x128xf32, #tpu.memory_space<hbm>> -> memref<1x640x128xf32, #tpu.memory_space<hbm>>
      %dma_start3A_61 = tpu.memref_squeeze %dma_start3A_60 : memref<1x640x128xf32, #tpu.memory_space<hbm>> -> memref<640x128xf32, #tpu.memory_space<hbm>>
      %dma_start3A_62 = arith.constant 0 : i32
      %dma_start3A_63 = tpu.memref_slice %arg11[%mul3A_55, %dma_start3A_62] : memref<10240x128xf32, #tpu.memory_space<vmem_shared>> -> memref<640x128xf32, #tpu.memory_space<vmem_shared>>
      tpu.enqueue_dma source(%dma_start3A_63 : memref<640x128xf32, #tpu.memory_space<vmem_shared>>) target(%dma_start3A_61 : memref<640x128xf32, #tpu.memory_space<hbm>>) target_semaphore(%run_scoped3A_58 : memref<!tpu.dma_semaphore, #tpu.memory_space<semaphore_mem>>)
      %dma_wait3A = arith.constant 0 : i32
      %dma_wait3A_64 = tpu.memref_slice %arg5[%arg0, %mul3A_57, %dma_wait3A] : memref<2x10240x128xf32, #tpu.memory_space<hbm>> -> memref<1x640x128xf32, #tpu.memory_space<hbm>>
      %dma_wait3A_65 = tpu.memref_squeeze %dma_wait3A_64 : memref<1x640x128xf32, #tpu.memory_space<hbm>> -> memref<640x128xf32, #tpu.memory_space<hbm>>
      %dma_wait3A_66 = arith.constant 0 : i32
      %dma_wait3A_67 = tpu.memref_slice %arg11[%mul3A_55, %dma_wait3A_66] : memref<10240x128xf32, #tpu.memory_space<vmem_shared>> -> memref<640x128xf32, #tpu.memory_space<vmem_shared>>
      tpu.wait_dma2 semaphore(%run_scoped3A_58 : memref<!tpu.dma_semaphore, #tpu.memory_space<semaphore_mem>>) src(%dma_wait3A_67 : memref<640x128xf32, #tpu.memory_space<vmem_shared>>) dst(%dma_wait3A_65 : memref<640x128xf32, #tpu.memory_space<hbm>>)
      tpu.yield
    }) : () -> ()
    return
  }
}

#map = affine_map<(d0, d1) -> (0, 0)>
#map1 = affine_map<(d0, d1) -> (0, 0, 0)>
module attributes {stable_mosaic.version = 14 : i64} {
  func.func @body(%arg0: i32, %arg1: i32, %arg2: memref<32x10000xi32, #tpu.memory_space<hbm>>, %arg3: memref<32x10000xi32, #tpu.memory_space<hbm>>, %arg4: memref<32x2x10240xf32, #tpu.memory_space<hbm>>, %arg5: memref<10000xi32, #tpu.memory_space<vmem>>, %arg6: memref<10000xi32, #tpu.memory_space<vmem>>, %arg7: memref<10240xf32, #tpu.memory_space<vmem>>, %arg8: memref<10240xf32, #tpu.memory_space<vmem>>) attributes {dimension_semantics = [#tpu.dimension_semantics<core_parallel>, #tpu.dimension_semantics<subcore_parallel>], iteration_bounds = array<i64: 2, 16>, scalar_prefetch = 0 : i64, scratch_operands = 4 : i64, tpu.core_type = #tpu.core_type<sc_vector_subcore>, window_params = [{transform_indices = #map}, {transform_indices = #map}, {transform_indices = #map1}]} {
    %mul3A = arith.constant 16 : i32
    %mul3A_0 = arith.muli %arg0, %mul3A : i32
    %add3A = arith.addi %mul3A_0, %arg1 : i32
    "tpu.region"() ({
      %run_scoped3A_14 = tpu.sem_alloc : memref<!tpu.dma_semaphore, #tpu.memory_space<semaphore_mem>>
      %dma_start3A = arith.constant 0 : i32
      %dma_start3A_15 = tpu.memref_slice %arg2[%add3A, %dma_start3A] : memref<32x10000xi32, #tpu.memory_space<hbm>> -> memref<1x10000xi32, #tpu.memory_space<hbm>>
      %dma_start3A_16 = tpu.memref_squeeze %dma_start3A_15 : memref<1x10000xi32, #tpu.memory_space<hbm>> -> memref<10000xi32, #tpu.memory_space<hbm>>
      %dma_start3A_17 = arith.constant 0 : i32
      %dma_start3A_18 = tpu.memref_slice %arg2[%add3A, %dma_start3A_17] : memref<32x10000xi32, #tpu.memory_space<hbm>> -> memref<1x10000xi32, #tpu.memory_space<hbm>>
      %dma_start3A_19 = tpu.memref_squeeze %dma_start3A_18 : memref<1x10000xi32, #tpu.memory_space<hbm>> -> memref<10000xi32, #tpu.memory_space<hbm>>
      tpu.enqueue_dma source(%dma_start3A_19 : memref<10000xi32, #tpu.memory_space<hbm>>) target(%arg5 : memref<10000xi32, #tpu.memory_space<vmem>>) target_semaphore(%run_scoped3A_14 : memref<!tpu.dma_semaphore, #tpu.memory_space<semaphore_mem>>)
      %dma_wait3A = arith.constant 0 : i32
      %dma_wait3A_20 = tpu.memref_slice %arg2[%add3A, %dma_wait3A] : memref<32x10000xi32, #tpu.memory_space<hbm>> -> memref<1x10000xi32, #tpu.memory_space<hbm>>
      %dma_wait3A_21 = tpu.memref_squeeze %dma_wait3A_20 : memref<1x10000xi32, #tpu.memory_space<hbm>> -> memref<10000xi32, #tpu.memory_space<hbm>>
      %dma_wait3A_22 = arith.constant 0 : i32
      %dma_wait3A_23 = tpu.memref_slice %arg2[%add3A, %dma_wait3A_22] : memref<32x10000xi32, #tpu.memory_space<hbm>> -> memref<1x10000xi32, #tpu.memory_space<hbm>>
      %dma_wait3A_24 = tpu.memref_squeeze %dma_wait3A_23 : memref<1x10000xi32, #tpu.memory_space<hbm>> -> memref<10000xi32, #tpu.memory_space<hbm>>
      tpu.wait_dma2 semaphore(%run_scoped3A_14 : memref<!tpu.dma_semaphore, #tpu.memory_space<semaphore_mem>>) src(%dma_wait3A_24 : memref<10000xi32, #tpu.memory_space<hbm>>) dst(%arg5 : memref<10000xi32, #tpu.memory_space<vmem>>)
      tpu.yield
    }) : () -> ()
    "tpu.region"() ({
      %run_scoped3A_14 = tpu.sem_alloc : memref<!tpu.dma_semaphore, #tpu.memory_space<semaphore_mem>>
      %dma_start3A = arith.constant 0 : i32
      %dma_start3A_15 = tpu.memref_slice %arg3[%add3A, %dma_start3A] : memref<32x10000xi32, #tpu.memory_space<hbm>> -> memref<1x10000xi32, #tpu.memory_space<hbm>>
      %dma_start3A_16 = tpu.memref_squeeze %dma_start3A_15 : memref<1x10000xi32, #tpu.memory_space<hbm>> -> memref<10000xi32, #tpu.memory_space<hbm>>
      %dma_start3A_17 = arith.constant 0 : i32
      %dma_start3A_18 = tpu.memref_slice %arg3[%add3A, %dma_start3A_17] : memref<32x10000xi32, #tpu.memory_space<hbm>> -> memref<1x10000xi32, #tpu.memory_space<hbm>>
      %dma_start3A_19 = tpu.memref_squeeze %dma_start3A_18 : memref<1x10000xi32, #tpu.memory_space<hbm>> -> memref<10000xi32, #tpu.memory_space<hbm>>
      tpu.enqueue_dma source(%dma_start3A_19 : memref<10000xi32, #tpu.memory_space<hbm>>) target(%arg6 : memref<10000xi32, #tpu.memory_space<vmem>>) target_semaphore(%run_scoped3A_14 : memref<!tpu.dma_semaphore, #tpu.memory_space<semaphore_mem>>)
      %dma_wait3A = arith.constant 0 : i32
      %dma_wait3A_20 = tpu.memref_slice %arg3[%add3A, %dma_wait3A] : memref<32x10000xi32, #tpu.memory_space<hbm>> -> memref<1x10000xi32, #tpu.memory_space<hbm>>
      %dma_wait3A_21 = tpu.memref_squeeze %dma_wait3A_20 : memref<1x10000xi32, #tpu.memory_space<hbm>> -> memref<10000xi32, #tpu.memory_space<hbm>>
      %dma_wait3A_22 = arith.constant 0 : i32
      %dma_wait3A_23 = tpu.memref_slice %arg3[%add3A, %dma_wait3A_22] : memref<32x10000xi32, #tpu.memory_space<hbm>> -> memref<1x10000xi32, #tpu.memory_space<hbm>>
      %dma_wait3A_24 = tpu.memref_squeeze %dma_wait3A_23 : memref<1x10000xi32, #tpu.memory_space<hbm>> -> memref<10000xi32, #tpu.memory_space<hbm>>
      tpu.wait_dma2 semaphore(%run_scoped3A_14 : memref<!tpu.dma_semaphore, #tpu.memory_space<semaphore_mem>>) src(%dma_wait3A_24 : memref<10000xi32, #tpu.memory_space<hbm>>) dst(%arg6 : memref<10000xi32, #tpu.memory_space<vmem>>)
      tpu.yield
    }) : () -> ()
    %broadcast_in_dim3A = arith.constant 0.000000e+00 : f32
    %broadcast_in_dim3A_1 = vector.broadcast %broadcast_in_dim3A : f32 to vector<16xf32>
    %scan3A = arith.constant 0 : i32
    %scan3A_2 = arith.constant 640 : i32
    %scan3A_3 = arith.addi %scan3A, %scan3A_2 : i32
    %scan3A_4 = arith.constant 1 : i32
    scf.for %scan3A_14 = %scan3A to %scan3A_3 step %scan3A_4  : i32 {
      %mul3A_15 = arith.constant 1 : i32
      %mul3A_16 = arith.muli %scan3A_14, %mul3A_15 : i32
      %add3A_17 = arith.constant 0 : i32
      %add3A_18 = arith.addi %add3A_17, %mul3A_16 : i32
      %mul3A_19 = arith.constant 16 : i32
      %mul3A_20 = arith.muli %add3A_18, %mul3A_19 : i32
      %swap3A = arith.index_cast %mul3A_20 : i32 to index
      %swap3A_21 = tpu.vector_load %arg7[%swap3A] {strides = array<i32>} : memref<10240xf32, #tpu.memory_space<vmem>>, vector<16xf32>,
      tpu.vector_store %arg7[%swap3A], %broadcast_in_dim3A_1 {strides = array<i32>} : memref<10240xf32, #tpu.memory_space<vmem>>, vector<16xf32>,
      %mul3A_22 = arith.constant 16 : i32
      %mul3A_23 = arith.muli %add3A_18, %mul3A_22 : i32
      %swap3A_24 = arith.index_cast %mul3A_23 : i32 to index
      %swap3A_25 = tpu.vector_load %arg8[%swap3A_24] {strides = array<i32>} : memref<10240xf32, #tpu.memory_space<vmem>>, vector<16xf32>,
      tpu.vector_store %arg8[%swap3A_24], %broadcast_in_dim3A_1 {strides = array<i32>} : memref<10240xf32, #tpu.memory_space<vmem>>, vector<16xf32>,
    }
    %scan3A_5 = arith.constant 640 : i32
    %broadcast_in_dim3A_6 = arith.constant 1.000000e+00 : f32
    %broadcast_in_dim3A_7 = vector.broadcast %broadcast_in_dim3A_6 : f32 to vector<16xf32>
    %scan3A_8 = arith.constant 0 : i32
    %scan3A_9 = arith.constant 625 : i32
    %scan3A_10 = arith.addi %scan3A_8, %scan3A_9 : i32
    %scan3A_11 = arith.constant 1 : i32
    scf.for %scan3A_14 = %scan3A_8 to %scan3A_10 step %scan3A_11  : i32 {
      %mul3A_15 = arith.constant 1 : i32
      %mul3A_16 = arith.muli %scan3A_14, %mul3A_15 : i32
      %add3A_17 = arith.constant 0 : i32
      %add3A_18 = arith.addi %add3A_17, %mul3A_16 : i32
      %mul3A_19 = arith.constant 16 : i32
      %mul3A_20 = arith.muli %add3A_18, %mul3A_19 : i32
      %get3A = arith.index_cast %mul3A_20 : i32 to index
      %get3A_21 = tpu.vector_load %arg5[%get3A] {strides = array<i32>} : memref<10000xi32, #tpu.memory_space<vmem>>, vector<16xi32>,
      tpu.vector_store_idx %arg7[%get3A_21], %broadcast_in_dim3A_7 {add = true} : memref<10240xf32, #tpu.memory_space<vmem>>[vector<16xi32>], vector<16xf32>,
      %mul3A_22 = arith.constant 16 : i32
      %mul3A_23 = arith.muli %add3A_18, %mul3A_22 : i32
      %get3A_24 = arith.index_cast %mul3A_23 : i32 to index
      %get3A_25 = tpu.vector_load %arg6[%get3A_24] {strides = array<i32>} : memref<10000xi32, #tpu.memory_space<vmem>>, vector<16xi32>,
      tpu.vector_store_idx %arg8[%get3A_25], %broadcast_in_dim3A_7 {add = true} : memref<10240xf32, #tpu.memory_space<vmem>>[vector<16xi32>], vector<16xf32>,
    }
    %scan3A_12 = arith.constant 625 : i32
    %run_scoped3A = arith.constant 0 : i32
    "tpu.region"() ({
      %run_scoped3A_14 = tpu.sem_alloc : memref<!tpu.dma_semaphore, #tpu.memory_space<semaphore_mem>>
      %dma_start3A = arith.constant 0 : i32
      %dma_start3A_15 = tpu.memref_slice %arg4[%add3A, %run_scoped3A, %dma_start3A] : memref<32x2x10240xf32, #tpu.memory_space<hbm>> -> memref<1x1x10240xf32, #tpu.memory_space<hbm>>
      %dma_start3A_16 = tpu.memref_squeeze %dma_start3A_15 : memref<1x1x10240xf32, #tpu.memory_space<hbm>> -> memref<10240xf32, #tpu.memory_space<hbm>>
      %dma_start3A_17 = arith.constant 0 : i32
      %dma_start3A_18 = tpu.memref_slice %arg4[%add3A, %run_scoped3A, %dma_start3A_17] : memref<32x2x10240xf32, #tpu.memory_space<hbm>> -> memref<1x1x10240xf32, #tpu.memory_space<hbm>>
      %dma_start3A_19 = tpu.memref_squeeze %dma_start3A_18 : memref<1x1x10240xf32, #tpu.memory_space<hbm>> -> memref<10240xf32, #tpu.memory_space<hbm>>
      tpu.enqueue_dma source(%arg7 : memref<10240xf32, #tpu.memory_space<vmem>>) target(%dma_start3A_19 : memref<10240xf32, #tpu.memory_space<hbm>>) target_semaphore(%run_scoped3A_14 : memref<!tpu.dma_semaphore, #tpu.memory_space<semaphore_mem>>)
      %dma_wait3A = arith.constant 0 : i32
      %dma_wait3A_20 = tpu.memref_slice %arg4[%add3A, %run_scoped3A, %dma_wait3A] : memref<32x2x10240xf32, #tpu.memory_space<hbm>> -> memref<1x1x10240xf32, #tpu.memory_space<hbm>>
      %dma_wait3A_21 = tpu.memref_squeeze %dma_wait3A_20 : memref<1x1x10240xf32, #tpu.memory_space<hbm>> -> memref<10240xf32, #tpu.memory_space<hbm>>
      %dma_wait3A_22 = arith.constant 0 : i32
      %dma_wait3A_23 = tpu.memref_slice %arg4[%add3A, %run_scoped3A, %dma_wait3A_22] : memref<32x2x10240xf32, #tpu.memory_space<hbm>> -> memref<1x1x10240xf32, #tpu.memory_space<hbm>>
      %dma_wait3A_24 = tpu.memref_squeeze %dma_wait3A_23 : memref<1x1x10240xf32, #tpu.memory_space<hbm>> -> memref<10240xf32, #tpu.memory_space<hbm>>
      tpu.wait_dma2 semaphore(%run_scoped3A_14 : memref<!tpu.dma_semaphore, #tpu.memory_space<semaphore_mem>>) src(%arg7 : memref<10240xf32, #tpu.memory_space<vmem>>) dst(%dma_wait3A_24 : memref<10240xf32, #tpu.memory_space<hbm>>)
      tpu.yield
    }) : () -> ()
    %run_scoped3A_13 = arith.constant 1 : i32
    "tpu.region"() ({
      %run_scoped3A_14 = tpu.sem_alloc : memref<!tpu.dma_semaphore, #tpu.memory_space<semaphore_mem>>
      %dma_start3A = arith.constant 0 : i32
      %dma_start3A_15 = tpu.memref_slice %arg4[%add3A, %run_scoped3A_13, %dma_start3A] : memref<32x2x10240xf32, #tpu.memory_space<hbm>> -> memref<1x1x10240xf32, #tpu.memory_space<hbm>>
      %dma_start3A_16 = tpu.memref_squeeze %dma_start3A_15 : memref<1x1x10240xf32, #tpu.memory_space<hbm>> -> memref<10240xf32, #tpu.memory_space<hbm>>
      %dma_start3A_17 = arith.constant 0 : i32
      %dma_start3A_18 = tpu.memref_slice %arg4[%add3A, %run_scoped3A_13, %dma_start3A_17] : memref<32x2x10240xf32, #tpu.memory_space<hbm>> -> memref<1x1x10240xf32, #tpu.memory_space<hbm>>
      %dma_start3A_19 = tpu.memref_squeeze %dma_start3A_18 : memref<1x1x10240xf32, #tpu.memory_space<hbm>> -> memref<10240xf32, #tpu.memory_space<hbm>>
      tpu.enqueue_dma source(%arg8 : memref<10240xf32, #tpu.memory_space<vmem>>) target(%dma_start3A_19 : memref<10240xf32, #tpu.memory_space<hbm>>) target_semaphore(%run_scoped3A_14 : memref<!tpu.dma_semaphore, #tpu.memory_space<semaphore_mem>>)
      %dma_wait3A = arith.constant 0 : i32
      %dma_wait3A_20 = tpu.memref_slice %arg4[%add3A, %run_scoped3A_13, %dma_wait3A] : memref<32x2x10240xf32, #tpu.memory_space<hbm>> -> memref<1x1x10240xf32, #tpu.memory_space<hbm>>
      %dma_wait3A_21 = tpu.memref_squeeze %dma_wait3A_20 : memref<1x1x10240xf32, #tpu.memory_space<hbm>> -> memref<10240xf32, #tpu.memory_space<hbm>>
      %dma_wait3A_22 = arith.constant 0 : i32
      %dma_wait3A_23 = tpu.memref_slice %arg4[%add3A, %run_scoped3A_13, %dma_wait3A_22] : memref<32x2x10240xf32, #tpu.memory_space<hbm>> -> memref<1x1x10240xf32, #tpu.memory_space<hbm>>
      %dma_wait3A_24 = tpu.memref_squeeze %dma_wait3A_23 : memref<1x1x10240xf32, #tpu.memory_space<hbm>> -> memref<10240xf32, #tpu.memory_space<hbm>>
      tpu.wait_dma2 semaphore(%run_scoped3A_14 : memref<!tpu.dma_semaphore, #tpu.memory_space<semaphore_mem>>) src(%arg8 : memref<10240xf32, #tpu.memory_space<vmem>>) dst(%dma_wait3A_24 : memref<10240xf32, #tpu.memory_space<hbm>>)
      tpu.yield
    }) : () -> ()
    return
  }
}

module attributes {stable_mosaic.version = 14 : i64} {
  func.func @body(%arg0: i32, %arg1: memref<32x2x2048xf32, #tpu.memory_space<vmem>>, %arg2: memref<2048x128xf32, #tpu.memory_space<vmem>>, %arg3: memref<2048x1xf32, #tpu.memory_space<vmem>>, %arg4: memref<2048x1xf32, #tpu.memory_space<vmem>>, %arg5: memref<2048x128xf32, #tpu.memory_space<vmem>>) attributes {dimension_semantics = [#tpu.dimension_semantics<arbitrary>], iteration_bounds = array<i64: 5>, scalar_prefetch = 0 : i64, scratch_operands = 0 : i64, tpu.core_type = #tpu.core_type<tc>, window_params = [{transform_indices = @transform_0, window_bounds = array<i64: 32, 2, 2048>}, {transform_indices = @transform_1, window_bounds = array<i64: 2048, 128>}, {transform_indices = @transform_2, window_bounds = array<i64: 2048, 1>}, {transform_indices = @transform_3, window_bounds = array<i64: 2048, 1>}, {transform_indices = @transform_4, window_bounds = array<i64: 2048, 128>}]} {
    %get3A = arith.constant 0 : index
    %get3A_0 = arith.constant 0 : index
    %get3A_1 = arith.constant 0 : index
    %get3A_2 = vector.load %arg1[%get3A, %get3A_0, %get3A_1] : memref<32x2x2048xf32, #tpu.memory_space<vmem>>, vector<32x2x2048xf32>
    %reduce_sum3A = arith.constant dense<0.000000e+00> : vector<2x2048xf32>
    %reduce_sum3A_3 = vector.multi_reduction <add>, %get3A_2, %reduce_sum3A [0] : vector<32x2x2048xf32> to vector<2x2048xf32>
    %slice3A = vector.extract_strided_slice %reduce_sum3A_3 {offsets = [0, 0], sizes = [1, 2048], strides = [1, 1]} : vector<2x2048xf32> to vector<1x2048xf32>
    %add3A = arith.constant 1.000000e+00 : f32
    %add3A_4 = vector.broadcast %add3A : f32 to vector<1x2048xf32>
    %add3A_5 = arith.addf %slice3A, %add3A_4 : vector<1x2048xf32>
    %rsqrt3A = math.rsqrt %add3A_5 : vector<1x2048xf32>
    %slice3A_6 = vector.extract_strided_slice %reduce_sum3A_3 {offsets = [1, 0], sizes = [1, 2048], strides = [1, 1]} : vector<2x2048xf32> to vector<1x2048xf32>
    %transpose3A = tpu.transpose %rsqrt3A, [1, 0] : vector<1x2048xf32> -> vector<2048x1xf32>
    %transpose3A_7 = tpu.transpose %slice3A_6, [1, 0] : vector<1x2048xf32> -> vector<2048x1xf32>
    %swap3A = arith.constant 0 : index
    %swap3A_8 = arith.constant 0 : index
    %swap3A_9 = vector.load %arg3[%swap3A, %swap3A_8] : memref<2048x1xf32, #tpu.memory_space<vmem>>, vector<2048x1xf32>
    tpu.vector_store %arg3[%swap3A, %swap3A_8], %transpose3A {strides = array<i32>} : memref<2048x1xf32, #tpu.memory_space<vmem>>, vector<2048x1xf32>,
    %swap3A_10 = arith.constant 0 : index
    %swap3A_11 = arith.constant 0 : index
    %swap3A_12 = vector.load %arg4[%swap3A_10, %swap3A_11] : memref<2048x1xf32, #tpu.memory_space<vmem>>, vector<2048x1xf32>
    tpu.vector_store %arg4[%swap3A_10, %swap3A_11], %transpose3A_7 {strides = array<i32>} : memref<2048x1xf32, #tpu.memory_space<vmem>>, vector<2048x1xf32>,
    %get3A_13 = arith.constant 0 : index
    %get3A_14 = arith.constant 0 : index
    %get3A_15 = vector.load %arg2[%get3A_13, %get3A_14] : memref<2048x128xf32, #tpu.memory_space<vmem>>, vector<2048x128xf32>
    %mul3A = vector.broadcast %transpose3A : vector<2048x1xf32> to vector<2048x128xf32>
    %mul3A_16 = arith.mulf %mul3A, %get3A_15 : vector<2048x128xf32>
    %swap3A_17 = arith.constant 0 : index
    %swap3A_18 = arith.constant 0 : index
    %swap3A_19 = vector.load %arg5[%swap3A_17, %swap3A_18] : memref<2048x128xf32, #tpu.memory_space<vmem>>, vector<2048x128xf32>
    tpu.vector_store %arg5[%swap3A_17, %swap3A_18], %mul3A_16 {strides = array<i32>} : memref<2048x128xf32, #tpu.memory_space<vmem>>, vector<2048x128xf32>,
    return
  }
  func.func @transform_0(%arg0: i32) -> (i32, i32, i32) {
    %c0_i32 = arith.constant 0 : i32
    %c0_i32_0 = arith.constant 0 : i32
    %c0_i32_1 = arith.constant 0 : i32
    return %c0_i32, %c0_i32_0, %arg0 : i32, i32, i32
  }
  func.func @transform_1(%arg0: i32) -> (i32, i32) {
    %c0_i32 = arith.constant 0 : i32
    %c0_i32_0 = arith.constant 0 : i32
    return %arg0, %c0_i32 : i32, i32
  }
  func.func @transform_2(%arg0: i32) -> (i32, i32) {
    %c0_i32 = arith.constant 0 : i32
    %c0_i32_0 = arith.constant 0 : i32
    return %arg0, %c0_i32 : i32, i32
  }
  func.func @transform_3(%arg0: i32) -> (i32, i32) {
    %c0_i32 = arith.constant 0 : i32
    %c0_i32_0 = arith.constant 0 : i32
    return %arg0, %c0_i32 : i32, i32
  }
  func.func @transform_4(%arg0: i32) -> (i32, i32) {
    %c0_i32 = arith.constant 0 : i32
    %c0_i32_0 = arith.constant 0 : i32
    return %arg0, %c0_i32 : i32, i32
  }
}

module attributes {stable_mosaic.version = 14 : i64} {
  func.func @body(%arg0: i32, %arg1: memref<2048x128xf32, #tpu.memory_space<vmem>>, %arg2: memref<2048x128xf32, #tpu.memory_space<vmem>>, %arg3: memref<2048x128xf32, #tpu.memory_space<vmem>>, %arg4: memref<2048x1xf32, #tpu.memory_space<vmem>>, %arg5: memref<2048x1xf32, #tpu.memory_space<vmem>>, %arg6: memref<128x128xf32, #tpu.memory_space<vmem>>, %arg7: memref<1x128xf32, #tpu.memory_space<vmem>>, %arg8: memref<128x128xf32, #tpu.memory_space<vmem>>, %arg9: memref<1x128xf32, #tpu.memory_space<vmem>>, %arg10: memref<128x128xf32, #tpu.memory_space<vmem>>, %arg11: memref<1x128xf32, #tpu.memory_space<vmem>>, %arg12: memref<128x128xf32, #tpu.memory_space<vmem>>, %arg13: memref<128x128xf32, #tpu.memory_space<vmem>>, %arg14: memref<1x128xf32, #tpu.memory_space<vmem>>, %arg15: memref<1x128xf32, #tpu.memory_space<vmem>>, %arg16: memref<1x1xf32, #tpu.memory_space<vmem>>, %arg17: memref<2048x128xf32, #tpu.memory_space<vmem>>) attributes {dimension_semantics = [#tpu.dimension_semantics<arbitrary>], iteration_bounds = array<i64: 5>, scalar_prefetch = 0 : i64, scratch_operands = 0 : i64, tpu.core_type = #tpu.core_type<tc>, window_params = [{transform_indices = @transform_0, window_bounds = array<i64: 2048, 128>}, {transform_indices = @transform_1, window_bounds = array<i64: 2048, 128>}, {transform_indices = @transform_2, window_bounds = array<i64: 2048, 128>}, {transform_indices = @transform_3, window_bounds = array<i64: 2048, 1>}, {transform_indices = @transform_4, window_bounds = array<i64: 2048, 1>}, {pipeline_mode = #tpu.pipeline_mode<synchronous>, transform_indices = @transform_5, window_bounds = array<i64: 128, 128>}, {pipeline_mode = #tpu.pipeline_mode<synchronous>, transform_indices = @transform_6, window_bounds = array<i64: 1, 128>}, {pipeline_mode = #tpu.pipeline_mode<synchronous>, transform_indices = @transform_7, window_bounds = array<i64: 128, 128>}, {pipeline_mode = #tpu.pipeline_mode<synchronous>, transform_indices = @transform_8, window_bounds = array<i64: 1, 128>}, {pipeline_mode = #tpu.pipeline_mode<synchronous>, transform_indices = @transform_9, window_bounds = array<i64: 128, 128>}, {pipeline_mode = #tpu.pipeline_mode<synchronous>, transform_indices = @transform_10, window_bounds = array<i64: 1, 128>}, {pipeline_mode = #tpu.pipeline_mode<synchronous>, transform_indices = @transform_11, window_bounds = array<i64: 128, 128>}, {pipeline_mode = #tpu.pipeline_mode<synchronous>, transform_indices = @transform_12, window_bounds = array<i64: 128, 128>}, {pipeline_mode = #tpu.pipeline_mode<synchronous>, transform_indices = @transform_13, window_bounds = array<i64: 1, 128>}, {pipeline_mode = #tpu.pipeline_mode<synchronous>, transform_indices = @transform_14, window_bounds = array<i64: 1, 128>}, {pipeline_mode = #tpu.pipeline_mode<synchronous>, transform_indices = @transform_15, window_bounds = array<i64: 1, 1>}, {transform_indices = @transform_16, window_bounds = array<i64: 2048, 128>}]} {
    %get3A = arith.constant 0 : index
    %get3A_0 = arith.constant 0 : index
    %get3A_1 = vector.load %arg1[%get3A, %get3A_0] : memref<2048x128xf32, #tpu.memory_space<vmem>>, vector<2048x128xf32>
    %get3A_2 = arith.constant 0 : index
    %get3A_3 = arith.constant 0 : index
    %get3A_4 = vector.load %arg2[%get3A_2, %get3A_3] : memref<2048x128xf32, #tpu.memory_space<vmem>>, vector<2048x128xf32>
    %get3A_5 = arith.constant 0 : index
    %get3A_6 = arith.constant 0 : index
    %get3A_7 = vector.load %arg3[%get3A_5, %get3A_6] : memref<2048x128xf32, #tpu.memory_space<vmem>>, vector<2048x128xf32>
    %get3A_8 = arith.constant 0 : index
    %get3A_9 = arith.constant 0 : index
    %get3A_10 = vector.load %arg4[%get3A_8, %get3A_9] : memref<2048x1xf32, #tpu.memory_space<vmem>>, vector<2048x1xf32>
    %get3A_11 = arith.constant 0 : index
    %get3A_12 = arith.constant 0 : index
    %get3A_13 = vector.load %arg5[%get3A_11, %get3A_12] : memref<2048x1xf32, #tpu.memory_space<vmem>>, vector<2048x1xf32>
    %mul3A = vector.broadcast %get3A_10 : vector<2048x1xf32> to vector<2048x128xf32>
    %mul3A_14 = arith.mulf %mul3A, %get3A_4 : vector<2048x128xf32>
    %mul3A_15 = arith.mulf %get3A_10, %get3A_10 : vector<2048x1xf32>
    %mul3A_16 = vector.broadcast %mul3A_15 : vector<2048x1xf32> to vector<2048x128xf32>
    %mul3A_17 = arith.mulf %mul3A_16, %get3A_1 : vector<2048x128xf32>
    %add3A = arith.addf %mul3A_14, %mul3A_17 : vector<2048x128xf32>
    %get3A_18 = arith.constant 0 : index
    %get3A_19 = arith.constant 0 : index
    %get3A_20 = vector.load %arg6[%get3A_18, %get3A_19] : memref<128x128xf32, #tpu.memory_space<vmem>>, vector<128x128xf32>
    %dot_general3A = arith.constant dense<0.000000e+00> : vector<2048x128xf32>
    %dot_general3A_21 = tpu.matmul %add3A, %get3A_20, %dot_general3A {dimension_numbers = #tpu.dot_dimension_numbers<[1], [0], [0], [1], [0, 0, 1, 1], [], []>, transpose_lhs_hint = false} : vector<2048x128xf32>, vector<128x128xf32>, vector<2048x128xf32> -> vector<2048x128xf32>
    %get3A_22 = arith.constant 0 : index
    %get3A_23 = arith.constant 0 : index
    %get3A_24 = vector.load %arg7[%get3A_22, %get3A_23] : memref<1x128xf32, #tpu.memory_space<vmem>>, vector<1x128xf32>
    %add3A_25 = vector.broadcast %get3A_24 : vector<1x128xf32> to vector<2048x128xf32>
    %add3A_26 = arith.addf %dot_general3A_21, %add3A_25 : vector<2048x128xf32>
    %get3A_27 = arith.constant 0 : index
    %get3A_28 = arith.constant 0 : index
    %get3A_29 = vector.load %arg8[%get3A_27, %get3A_28] : memref<128x128xf32, #tpu.memory_space<vmem>>, vector<128x128xf32>
    %dot_general3A_30 = arith.constant dense<0.000000e+00> : vector<2048x128xf32>
    %dot_general3A_31 = tpu.matmul %add3A, %get3A_29, %dot_general3A_30 {dimension_numbers = #tpu.dot_dimension_numbers<[1], [0], [0], [1], [0, 0, 1, 1], [], []>, transpose_lhs_hint = false} : vector<2048x128xf32>, vector<128x128xf32>, vector<2048x128xf32> -> vector<2048x128xf32>
    %get3A_32 = arith.constant 0 : index
    %get3A_33 = arith.constant 0 : index
    %get3A_34 = vector.load %arg9[%get3A_32, %get3A_33] : memref<1x128xf32, #tpu.memory_space<vmem>>, vector<1x128xf32>
    %add3A_35 = vector.broadcast %get3A_34 : vector<1x128xf32> to vector<2048x128xf32>
    %add3A_36 = arith.addf %dot_general3A_31, %add3A_35 : vector<2048x128xf32>
    %max3A = arith.constant 0.000000e+00 : f32
    %max3A_37 = vector.broadcast %max3A : f32 to vector<2048x128xf32>
    %max3A_38 = arith.maximumf %add3A_36, %max3A_37 : vector<2048x128xf32>
    %mul3A_39 = arith.mulf %get3A_1, %get3A_7 : vector<2048x128xf32>
    %get3A_40 = arith.constant 0 : index
    %get3A_41 = arith.constant 0 : index
    %get3A_42 = vector.load %arg10[%get3A_40, %get3A_41] : memref<128x128xf32, #tpu.memory_space<vmem>>, vector<128x128xf32>
    %dot_general3A_43 = arith.constant dense<0.000000e+00> : vector<2048x128xf32>
    %dot_general3A_44 = tpu.matmul %mul3A_39, %get3A_42, %dot_general3A_43 {dimension_numbers = #tpu.dot_dimension_numbers<[1], [0], [0], [1], [0, 0, 1, 1], [], []>, transpose_lhs_hint = false} : vector<2048x128xf32>, vector<128x128xf32>, vector<2048x128xf32> -> vector<2048x128xf32>
    %get3A_45 = arith.constant 0 : index
    %get3A_46 = arith.constant 0 : index
    %get3A_47 = vector.load %arg11[%get3A_45, %get3A_46] : memref<1x128xf32, #tpu.memory_space<vmem>>, vector<1x128xf32>
    %mul3A_48 = vector.broadcast %get3A_13 : vector<2048x1xf32> to vector<2048x128xf32>
    %mul3A_49 = vector.broadcast %get3A_47 : vector<1x128xf32> to vector<2048x128xf32>
    %mul3A_50 = arith.mulf %mul3A_48, %mul3A_49 : vector<2048x128xf32>
    %add3A_51 = arith.addf %dot_general3A_44, %mul3A_50 : vector<2048x128xf32>
    %add3A_52 = arith.addf %max3A_38, %add3A_51 : vector<2048x128xf32>
    %get3A_53 = arith.constant 0 : index
    %get3A_54 = arith.constant 0 : index
    %get3A_55 = vector.load %arg12[%get3A_53, %get3A_54] : memref<128x128xf32, #tpu.memory_space<vmem>>, vector<128x128xf32>
    %dot_general3A_56 = arith.constant dense<0.000000e+00> : vector<2048x128xf32>
    %dot_general3A_57 = tpu.matmul %add3A_26, %get3A_55, %dot_general3A_56 {dimension_numbers = #tpu.dot_dimension_numbers<[1], [0], [0], [1], [0, 0, 1, 1], [], []>, transpose_lhs_hint = false} : vector<2048x128xf32>, vector<128x128xf32>, vector<2048x128xf32> -> vector<2048x128xf32>
    %get3A_58 = arith.constant 0 : index
    %get3A_59 = arith.constant 0 : index
    %get3A_60 = vector.load %arg13[%get3A_58, %get3A_59] : memref<128x128xf32, #tpu.memory_space<vmem>>, vector<128x128xf32>
    %dot_general3A_61 = arith.constant dense<0.000000e+00> : vector<2048x128xf32>
    %dot_general3A_62 = tpu.matmul %add3A_52, %get3A_60, %dot_general3A_61 {dimension_numbers = #tpu.dot_dimension_numbers<[1], [0], [0], [1], [0, 0, 1, 1], [], []>, transpose_lhs_hint = false} : vector<2048x128xf32>, vector<128x128xf32>, vector<2048x128xf32> -> vector<2048x128xf32>
    %add3A_63 = arith.addf %dot_general3A_57, %dot_general3A_62 : vector<2048x128xf32>
    %get3A_64 = arith.constant 0 : index
    %get3A_65 = arith.constant 0 : index
    %get3A_66 = vector.load %arg14[%get3A_64, %get3A_65] : memref<1x128xf32, #tpu.memory_space<vmem>>, vector<1x128xf32>
    %add3A_67 = vector.broadcast %get3A_66 : vector<1x128xf32> to vector<2048x128xf32>
    %add3A_68 = arith.addf %add3A_63, %add3A_67 : vector<2048x128xf32>
    %max3A_69 = arith.constant 0.000000e+00 : f32
    %max3A_70 = vector.broadcast %max3A_69 : f32 to vector<2048x128xf32>
    %max3A_71 = arith.maximumf %add3A_68, %max3A_70 : vector<2048x128xf32>
    %get3A_72 = arith.constant 0 : index
    %get3A_73 = arith.constant 0 : index
    %get3A_74 = vector.load %arg15[%get3A_72, %get3A_73] : memref<1x128xf32, #tpu.memory_space<vmem>>, vector<1x128xf32>
    %mul3A_75 = vector.broadcast %get3A_74 : vector<1x128xf32> to vector<2048x128xf32>
    %mul3A_76 = arith.mulf %max3A_71, %mul3A_75 : vector<2048x128xf32>
    %reduce_sum3A = arith.constant dense<0.000000e+00> : vector<2048xf32>
    %reduce_sum3A_77 = vector.multi_reduction <add>, %mul3A_76, %reduce_sum3A [1] : vector<2048x128xf32> to vector<2048xf32>
    %broadcast_in_dim3A = vector.shape_cast %reduce_sum3A_77 : vector<2048xf32> to vector<2048x1xf32>
    %get3A_78 = arith.constant 0 : index
    %get3A_79 = arith.constant 0 : index
    %get3A_80 = vector.load %arg16[%get3A_78, %get3A_79] : memref<1x1xf32, #tpu.memory_space<vmem>>, vector<1x1xf32>
    %add3A_81 = vector.broadcast %get3A_80 : vector<1x1xf32> to vector<2048x1xf32>
    %add3A_82 = arith.addf %broadcast_in_dim3A, %add3A_81 : vector<2048x1xf32>
    %logistic3A = arith.negf %add3A_82 : vector<2048x1xf32>
    %logistic3A_83 = math.exp %logistic3A : vector<2048x1xf32>
    %logistic3A_84 = arith.constant 1.000000e+00 : f32
    %logistic3A_85 = vector.broadcast %logistic3A_84 : f32 to vector<2048x1xf32>
    %logistic3A_86 = arith.addf %logistic3A_85, %logistic3A_83 : vector<2048x1xf32>
    %logistic3A_87 = arith.divf %logistic3A_85, %logistic3A_86 : vector<2048x1xf32>
    %mul3A_88 = vector.broadcast %logistic3A_87 : vector<2048x1xf32> to vector<2048x128xf32>
    %mul3A_89 = arith.mulf %mul3A_88, %add3A_26 : vector<2048x128xf32>
    %sub3A = arith.constant 1.000000e+00 : f32
    %sub3A_90 = vector.broadcast %sub3A : f32 to vector<2048x1xf32>
    %sub3A_91 = arith.subf %sub3A_90, %logistic3A_87 : vector<2048x1xf32>
    %mul3A_92 = vector.broadcast %sub3A_91 : vector<2048x1xf32> to vector<2048x128xf32>
    %mul3A_93 = arith.mulf %mul3A_92, %add3A_52 : vector<2048x128xf32>
    %add3A_94 = arith.addf %mul3A_89, %mul3A_93 : vector<2048x128xf32>
    %swap3A = arith.constant 0 : index
    %swap3A_95 = arith.constant 0 : index
    %swap3A_96 = vector.load %arg17[%swap3A, %swap3A_95] : memref<2048x128xf32, #tpu.memory_space<vmem>>, vector<2048x128xf32>
    tpu.vector_store %arg17[%swap3A, %swap3A_95], %add3A_94 {strides = array<i32>} : memref<2048x128xf32, #tpu.memory_space<vmem>>, vector<2048x128xf32>,
    return
  }
  func.func @transform_0(%arg0: i32) -> (i32, i32) {
    %c0_i32 = arith.constant 0 : i32
    %c0_i32_0 = arith.constant 0 : i32
    return %arg0, %c0_i32 : i32, i32
  }
  func.func @transform_1(%arg0: i32) -> (i32, i32) {
    %c0_i32 = arith.constant 0 : i32
    %c0_i32_0 = arith.constant 0 : i32
    return %arg0, %c0_i32 : i32, i32
  }
  func.func @transform_2(%arg0: i32) -> (i32, i32) {
    %c0_i32 = arith.constant 0 : i32
    %c0_i32_0 = arith.constant 0 : i32
    return %arg0, %c0_i32 : i32, i32
  }
  func.func @transform_3(%arg0: i32) -> (i32, i32) {
    %c0_i32 = arith.constant 0 : i32
    %c0_i32_0 = arith.constant 0 : i32
    return %arg0, %c0_i32 : i32, i32
  }
  func.func @transform_4(%arg0: i32) -> (i32, i32) {
    %c0_i32 = arith.constant 0 : i32
    %c0_i32_0 = arith.constant 0 : i32
    return %arg0, %c0_i32 : i32, i32
  }
  func.func @transform_5(%arg0: i32) -> (i32, i32) {
    %c0_i32 = arith.constant 0 : i32
    %c0_i32_0 = arith.constant 0 : i32
    %c0_i32_1 = arith.constant 0 : i32
    return %c0_i32, %c0_i32_0 : i32, i32
  }
  func.func @transform_6(%arg0: i32) -> (i32, i32) {
    %c0_i32 = arith.constant 0 : i32
    %c0_i32_0 = arith.constant 0 : i32
    %c0_i32_1 = arith.constant 0 : i32
    return %c0_i32, %c0_i32_0 : i32, i32
  }
  func.func @transform_7(%arg0: i32) -> (i32, i32) {
    %c0_i32 = arith.constant 0 : i32
    %c0_i32_0 = arith.constant 0 : i32
    %c0_i32_1 = arith.constant 0 : i32
    return %c0_i32, %c0_i32_0 : i32, i32
  }
  func.func @transform_8(%arg0: i32) -> (i32, i32) {
    %c0_i32 = arith.constant 0 : i32
    %c0_i32_0 = arith.constant 0 : i32
    %c0_i32_1 = arith.constant 0 : i32
    return %c0_i32, %c0_i32_0 : i32, i32
  }
  func.func @transform_9(%arg0: i32) -> (i32, i32) {
    %c0_i32 = arith.constant 0 : i32
    %c0_i32_0 = arith.constant 0 : i32
    %c0_i32_1 = arith.constant 0 : i32
    return %c0_i32, %c0_i32_0 : i32, i32
  }
  func.func @transform_10(%arg0: i32) -> (i32, i32) {
    %c0_i32 = arith.constant 0 : i32
    %c0_i32_0 = arith.constant 0 : i32
    %c0_i32_1 = arith.constant 0 : i32
    return %c0_i32, %c0_i32_0 : i32, i32
  }
  func.func @transform_11(%arg0: i32) -> (i32, i32) {
    %c0_i32 = arith.constant 0 : i32
    %c0_i32_0 = arith.constant 0 : i32
    %c0_i32_1 = arith.constant 0 : i32
    return %c0_i32, %c0_i32_0 : i32, i32
  }
  func.func @transform_12(%arg0: i32) -> (i32, i32) {
    %c0_i32 = arith.constant 0 : i32
    %c0_i32_0 = arith.constant 0 : i32
    %c0_i32_1 = arith.constant 0 : i32
    return %c0_i32, %c0_i32_0 : i32, i32
  }
  func.func @transform_13(%arg0: i32) -> (i32, i32) {
    %c0_i32 = arith.constant 0 : i32
    %c0_i32_0 = arith.constant 0 : i32
    %c0_i32_1 = arith.constant 0 : i32
    return %c0_i32, %c0_i32_0 : i32, i32
  }
  func.func @transform_14(%arg0: i32) -> (i32, i32) {
    %c0_i32 = arith.constant 0 : i32
    %c0_i32_0 = arith.constant 0 : i32
    %c0_i32_1 = arith.constant 0 : i32
    return %c0_i32, %c0_i32_0 : i32, i32
  }
  func.func @transform_15(%arg0: i32) -> (i32, i32) {
    %c0_i32 = arith.constant 0 : i32
    %c0_i32_0 = arith.constant 0 : i32
    %c0_i32_1 = arith.constant 0 : i32
    return %c0_i32, %c0_i32_0 : i32, i32
  }
  func.func @transform_16(%arg0: i32) -> (i32, i32) {
    %c0_i32 = arith.constant 0 : i32
    %c0_i32_0 = arith.constant 0 : i32
    return %arg0, %c0_i32 : i32, i32
  }
}

</mosaic_0001>

<sc_bundles>
// kernel: kernel.6.cloned.1.call-start
scs
__scs_entry_jumppad:
0x0: {  	(pc) =	sbr.rel $0x88, $3  }
0x1: {  	(tag) =	ssettag $0x0;
	lr =	simm.s32 $0x1  }
0x2: {  	[smem:$0x3F95] =	sst lr;
	_ =	strace $0xD0000000  }
0x3: {  	_ = 	snop  }
0x4: {  	_ = 	snop  }
0x5: {  	_ = 	snop  }
0x6: {  	_ = 	snop  }
0x7: {  	_ = 	snop  }
__scs_overlays_trampoline_lowered:
0x8: {  	[smem:$0x3FA4] =	sst s0  }
0x9: {  	[smem:$0x3FA5] =	sst s1  }
0xa: {  	[smem:$0x3FA6] =	sst s2  }
0xb: {  	[smem:$0x3FA7] =	sst s3  }
0xc: {  	[smem:$0x3FA8] =	sst s4  }
0xd: {  	[smem:$0x3FA9] =	sst s5  }
0xe: {  	[smem:$0x3FAA] =	sst s6  }
0xf: {  	[smem:$0x3FAB] =	sst s7  }
0x10: {  	[smem:$0x3FAC] =	sst s8  }
0x11: {  	[smem:$0x3FAD] =	sst s9;
	s0 =	simm.s32 @!p0 $0x0  }
0x12: {  	s1 =	sld [smem:$0x3F93];
	s0 =	simm.s32 @p0 $0x1  }
0x13: {  	[smem:$0x3FAE] =	sst s0;
	s0 =	simm.s32 @!p1 $0x0  }
0x14: {  	s2 =	sld [smem:$0x3F92];
	s0 =	simm.s32 @p1 $0x1  }
0x15: {  	[smem:$0x3FAF] =	sst s0;
	s0 =	simm.s32 @!p2 $0x0  }
0x16: {  	s3 =	sld [smem:$0x3FDB];
	s0 =	simm.s32 @p2 $0x1  }
0x17: {  	s4 =	simm.s32 $0x1BF5;
	[smem:$0x3FB1] =	sst s0  }
0x18: {  	s0 =	sld [smem:$0x3F94];
	_ =	swait.ge [sflag:s4], $0x0  }
0x19: {  	s7 =	sld [smem:$0x3F95]  }
0x1a: {  	s8 =	sadd.s32 $0xFFFFE003, lr  }
0x1b: {  	s9 =	sadd.s32 $0xFFFFFEF7, lr;
	s5 =	simm.s32 $0xFFFFFFFF;
	p2 =	slt.u32 s8, $0xFFFFF086  }
0x1c: {  	p1 =	slt.u32 s9, $0xF7A;
	s5 =	simm.s32 @!p2 $0x0  }
0x1d: {  	s5 =	simm.s32 @p1 $0x1;
	p0 =	seq.s32 s7, s2  }
0x1e: {  	s7 =	smul.u32 @!p0 $0xF7A, s2;
	p2 =	seq.s32 @!p0 s5, $0x0  }
0x1f: {  	s9 =	smul.u32 $0xF7A, s1;
	s8 =	simm.s32 @!p0 $0x1BF5;
	p2 =	por !p2, p0  }
0x20: {  	[sflag:s8] =	ssyncset.s32 @!p0 $0xFFFFF086;
	s6 =	sadd.s32 @!p0 s3, s7;
	s7 =	simm.s32 @!p0 $0x108  }
0x21: {  	s3 =	sadd.s32 s3, s9;
	s6 =	sadd.s32 @!p0 $0x88, s6;
	s7 =	simm.s32 @p2 $0x1082  }
0x22: {  	[simem:s7], [sflag:s8] =	dma.local @!p0 [hbm:s6], $0xF7A  }
0x23: {  	s9 =	sor.u32 $0xD0000000, s2;
	s6 =	simm.s32 $0x108;
	_ =	swait.ge @!p0 [sflag:s8], $0x0  }
0x24: {  	s3 =	sadd.s32 $0x88, s3;
	s6 =	simm.s32 @!p1 $0x1082;
	[sflag:s4] =	ssyncset.s32 $0xFFFFF086  }
0x25: {  	[simem:s6], [sflag:s4] =	dma.local [hbm:s3], $0xF7A  }
0x26: {  	[smem:$0x3F95] =	sst s1;
	(tag) =	ssettag s2;
	_ =	strace s9  }
0x27: {  	s1 =	sld [smem:$0x3FA5]  }
0x28: {  	s2 =	sld [smem:$0x3FA6]  }
0x29: {  	s4 =	sld [smem:$0x3FA8]  }
0x2a: {  	p0 =	seq.s32 s5, $0x0;
	s5 =	sld [smem:$0x3FA9]  }
0x2b: {  	s6 =	sld [smem:$0x3FAA]  }
0x2c: {  	s7 =	sld [smem:$0x3FAB]  }
0x2d: {  	s3 =	simm.s32 $0x108;
	s8 =	sld [smem:$0x3FAC]  }
0x2e: {  	s3 =	simm.s32 @!p0 $0x1082;
	s9 =	sld [smem:$0x3FAD]  }
0x2f: {  	lr =	sadd.s32 s0, s3;
	s0 =	sld [smem:$0x3FA4]  }
0x30: {  	s3 =	sld [smem:$0x3FA7]  }
0x31: {  	[smem:$0x3FB0] =	sst s10  }
0x32: {  	s10 =	sld [smem:$0x3FAE];
	_ =	sdelay $0x3  }
0x33: {  	p0 =	seq.s32 s10, $0x1;
	s10 =	sld [smem:$0x3FB0];
	_ =	sdelay $0x3  }
0x34: {  	[smem:$0x3FB0] =	sst s10  }
0x35: {  	s10 =	sld [smem:$0x3FAF];
	_ =	sdelay $0x3  }
0x36: {  	p1 =	seq.s32 s10, $0x1;
	s10 =	sld [smem:$0x3FB0];
	_ =	sdelay $0x3  }
0x37: {  	[smem:$0x3FB0] =	sst s10  }
0x38: {  	s10 =	sld [smem:$0x3FB1]  }
0x39: {  	_ = 	snop;
	(pc) =	sbr.ind lr, $3  }
0x3a: {  	_ = 	snop  }
0x3b: {  	_ = 	snop  }
0x3c: {  	p2 =	seq.s32 s10, $0x1;
	s10 =	sld [smem:$0x3FB0]  }
0x3d: {  	_ =	shalt  }
0x3e: {  	_ =	shalt  }
0x3f: {  	_ =	shalt  }
0x40: {  	_ =	shalt  }
0x41: {  	_ =	shalt  }
0x42: {  	_ =	shalt  }
0x43: {  	_ =	shalt  }
0x44: {  	_ =	shalt  }
0x45: {  	_ =	shalt  }
0x46: {  	_ =	shalt  }
0x47: {  	_ =	shalt  }
0x48: {  	_ =	shalt  }
0x49: {  	_ =	shalt  }
0x4a: {  	_ =	shalt  }
0x4b: {  	_ =	shalt  }
0x4c: {  	_ =	shalt  }
0x4d: {  	_ =	shalt  }
0x4e: {  	_ =	shalt  }
0x4f: {  	_ =	shalt  }
0x50: {  	_ =	shalt  }
0x51: {  	_ =	shalt  }
0x52: {  	_ =	shalt  }
0x53: {  	_ =	shalt  }
0x54: {  	_ =	shalt  }
0x55: {  	_ =	shalt  }
0x56: {  	_ =	shalt  }
0x57: {  	_ =	shalt  }
0x58: {  	_ =	shalt  }
0x59: {  	_ =	shalt  }
0x5a: {  	_ =	shalt  }
0x5b: {  	_ =	shalt  }
0x5c: {  	_ =	shalt  }
0x5d: {  	_ =	shalt  }
0x5e: {  	_ =	shalt  }
0x5f: {  	_ =	shalt  }
0x60: {  	_ =	shalt  }
0x61: {  	_ =	shalt  }
0x62: {  	_ =	shalt  }
0x63: {  	_ =	shalt  }
0x64: {  	_ =	shalt  }
0x65: {  	_ =	shalt  }
0x66: {  	_ =	shalt  }
0x67: {  	_ =	shalt  }
0x68: {  	_ =	shalt  }
0x69: {  	_ =	shalt  }
0x6a: {  	_ =	shalt  }
0x6b: {  	_ =	shalt  }
0x6c: {  	_ =	shalt  }
0x6d: {  	_ =	shalt  }
0x6e: {  	_ =	shalt  }
0x6f: {  	_ =	shalt  }
0x70: {  	_ =	shalt  }
0x71: {  	_ =	shalt  }
0x72: {  	_ =	shalt  }
0x73: {  	_ =	shalt  }
0x74: {  	_ =	shalt  }
0x75: {  	_ =	shalt  }
0x76: {  	_ =	shalt  }
0x77: {  	_ =	shalt  }
0x78: {  	_ =	shalt  }
0x79: {  	_ =	shalt  }
0x7a: {  	_ =	shalt  }
0x7b: {  	_ =	shalt  }
0x7c: {  	_ =	shalt  }
0x7d: {  	_ =	shalt  }
0x7e: {  	_ =	shalt  }
0x7f: {  	_ =	shalt  }
0x80: {  	_ =	shalt  }
0x81: {  	_ =	shalt  }
0x82: {  	_ =	shalt  }
0x83: {  	_ =	shalt  }
0x84: {  	_ =	shalt  }
0x85: {  	_ =	shalt  }
0x86: {  	_ =	shalt  }
0x87: {  	_ =	shalt  }
.Lfunc_end0:
.L_simem_size_0:
called_computation_lowered:
.L_overlay_start_0:
0x88: {  	s2 =	sld [smem:$0x3FD9]  }
0x89: {  	s3 =	sld [smem:$0x3FFE];
	_ =	sdelay $0x1  }
0x8a: {  	s1 =	srdreg.scid  }
0x8b: {  	s0 =	sand.u32 $0x1, s1  }
0x8c: {  	s17 =	sshll.u32 s0, $0xA;
	s2 =	sadd.s32 s3, s2  }
0x8d: {  	s2 =	sadd.s32 s2, s17  }
0x8e: {  	[smem:$0x3FBC] =	sst s2  }
0x8f: {  	_ = 	snop  }
0x90: {  	s2 =	sld [smem:$0x3FD0];
	(tm) =	ssettm $0x1  }
0x91: {  	s18 =	sld [smem:$0x3FFB];
	_ =	sdelay $0x3  }
0x92: {  	_ =	strace s18  }
0x93: {  	s3 =	sld [smem:$0x3FFC];
	_ =	sdelay $0x3  }
0x94: {  	_ =	strace s3  }
0x95: {  	s3 =	sld [smem:$0x3FFD];
	_ =	sdelay $0x3  }
0x96: {  	_ =	strace s3  }
0x97: {  	_ =	strace $0x8FFFFFFF  }
0x98: {  	s19 =	sld [smem:$0x3FDB];
	_ =	sdelay $0x1  }
0x99: {  	s4 =	simm.s32 $_scs_section_size  }
0x9a: {  	s5 =	simm.s32 $_size__tile_overlayer_lowered;
	s6 =	simm.s32 $_tile_overlayer_lowered  }
0x9b: {  	s22 =	simm.s32 $0x1BFF;
	s21 =	sshll.u32 s6, $0x1;
	s3 =	sadd.s32 s4, s19  }
0x9c: {  	s7 =	simm.s32 $0x0;
	s20 =	sshll.u32 s5, $0x1;
	s5 =	sadd.s32 s21, s3  }
0x9d: {  	[timem:s7], [sflag:s22] =	dma.local [hbm:s5], s20  }
0x9e: {  	_ =	swait.ge [sflag:s22], s20  }
0x9f: {  	s4 =	ssub.s32 $0x0, s20;
	[sflag:s22] =	ssyncset.done $0x0  }
0xa0: {  	[sflag:s22] =	ssyncadd.s32 s4;
	_ =	sdelay $0x1  }
0xa1: {  	s23 =	simm.s32 $0x1B8B  }
0xa2: {  	_ =	swait.ge [sflag:s23], $0x1  }
0xa3: {  	[sflag:s23] =	ssyncset.done $0x0  }
0xa4: {  	s25 =	simm.s32 $0x1B8E;
	s24 =	sld [smem:$0x3FFE];
	[sflag:s23] =	ssyncadd.s32 $0xFFFFFFFF  }
0xa5: {  	s26 =	simm.s32 $execute0_lowered;
	[smem:$0x3FD2] =	sst s25  }
0xa6: {  	s5 =	sshll.u32 s26, $0x1;
	_ =	strace $0x80000046;
	[dreg:$0x1] =	wrdreg $0xFFFFFFFF  }
0xa7: {  	s28 =	simm.s32 $_size_execute0_lowered;
	s3 =	sadd.s32 s3, s5;
	[dreg:$0x0] =	wrdreg $0x0  }
0xa8: {  	s5 =	sshll.u32 s28, $0x1;
	[dreg:$0x2] =	wrdreg s3  }
0xa9: {  	[dreg:$0x3] =	wrdreg s5  }
0xaa: {  	[dreg:$0x4] =	wrdreg $0xC0  }
0xab: {  	_ =	task [dreg:s7], $0x5FFFF  }
0xac: {  	[dreg:$0x1] =	wrdreg $0xFFFFFFFF  }
0xad: {  	[dreg:$0x0] =	wrdreg $0x60  }
0xae: {  	[dreg:$0x2] =	wrdreg s24  }
0xaf: {  	[dreg:$0x3] =	wrdreg s2  }
0xb0: {  	[dreg:$0x4] =	wrdreg $0x9  }
0xb1: {  	_ =	task.clear_ibuf [dreg:s7], $0x5FFFF;
	_ =	strace $0x90000046  }
0xb2: {  	s29 =	simm.s32 $0x9;
	_ =	strace $0x80000048  }
0xb3: {  	_ =	swait.ge [sflag:s29], $0x1  }
0xb4: {  	[sflag:s29] =	ssyncadd.s32 $0xFFFFFFFF  }
0xb5: {  	_ =	strace $0x90000048  }
0xb6: {  	_ =	sfence  }
0xb7: {  	s30 =	sld [smem:$0x0];
	_ =	sdelay $0x2  }
0xb8: {  	s31 =	sshll.u32 s1, $0xD;
	s1 =	sshrl.u32 s1, $0x2  }
0xb9: {  	s3 =	sand.u32 $0x4000, s31;
	s1 =	sadd.s32 s1, s30  }
0xba: {  	s0 =	sor.u32 s3, s0;
	s1 =	sshll.u32 s1, $0x11  }
0xbb: {  	s0 =	sor.u32 s1, s0  }
0xbc: {  	s0 =	sadd.s32 $0x8F2B, s0  }
0xbd: {  	[sflag:s0] =	ssyncadd.remote.s32 $0x1  }
0xbe: {  	_ =	sfence.sel $0xFFFF  }
0xbf: {  	[dreg:$0x0] =	wrdreg $0xFFFFFFFF;
	(pc) =	sbr.abs _section_cstart, $3  }
0xc0: {  	[dreg:$0x1] =	wrdreg $0xFFFFFFFF  }
0xc1: {  	_ =	task.clear_ibuf [dreg:s7], $0x2FFFF;
	_ =	strace $0x9FFFFFFF  }
0xc2: {  	(tm) =	ssettm $0x7FFFFFFF  }
0xc3: {  	_ =	shalt  }
tec
execute0_lowered:
.L_overlay_start_1:
0x0: {  	(tag) =	ssettag $0x1  }
0x1: {  	s0 =	srdreg.scid;
	s4 =	rddreg [dreg:$0x0]  }
0x2: {  	s5 =	rddreg [dreg:$0x1];
	s2 =	simm.s32 $0x0;
	s3 =	sand.u32 $0x1, s0  }
0x3: {  	s9 =	simm.s32 $0x400;
	s0 =	stileid.u32;
	s1 =	sshll.u32 s3, $0x4  }
0x4: {  	s10 =	simm.s32 $0x1;
	s11 =	simm.s32 $0x2780;
	s6 =	sor.u32 s0, s1  }
0x5: {  	s12 =	simm.s32 $0x4F00;
	s13 =	simm.s32 $0x7700;
	s7 =	sshrl.u32 s6, $0x3  }
0x6: {  	s14 =	simm.s32 $0x100;
	s8 =	sshll.u32 s0, $0x7;
	s7 =	smul.u32 $0x13C00, s7  }
0x7: {  	s15 =	simm.s32 $0x0;
	[smem:$0x7FF] =	sst s2;
	s8 =	sand.u32 $0x380, s8  }
0x8: {  	s3 =	ssub.s32 $0x2, s3;
	s6 =	smul.u32 $0xA00, s6;
	s7 =	sor.u32 s8, s7  }
0x9: {  	s1 =	rddreg [dreg:$0x2];
	s31 =	sshrl.u32 s3, $0x1;
	s7 =	sshrl.u32 s7, $0x3  }
0xa: {  	s8 =	ssub.s32 s3, s31;
	s3 =	sadd.s32 s5, s6;
	s7 =	sadd.s32 s7, s4  }
0xb: {  	_ =	strace $0x80000047;
	s6 =	sadd.s32 $0x10, s3;
	s4 =	sadd.s32 $0xCE00, s7  }
0xc: {  	v0 =	vimm.f32 $0.0e+00;
	v1 =	vimm.f32 $1.000000000e+00;
	s5 =	sadd.s32 $0x3000, s7;
	s7 =	smax.u32 s8, $0x1;
	s8 =	simm.s32 $0x80  }
.LBB2_1:
0xd: {  	[tilespmem:s2], [sflag:$0x1] =	stream.strided.gather [hbm4b:s4+s8], $0x2780, s9, s8, $0x38;
	[tilespmem:$0x9F00] =	vst v63  }
0xe: {  	_ =	swait.ge [sflag:s10], $0x2780  }
0xf: {  	[sflag:s10] =	ssyncset.done $0x0  }
0x10: {  	[sflag:s10] =	ssyncadd.s32 $0xFFFFD880  }
0x11: {  	[tilespmem:s11], [sflag:$0x1] =	stream.strided.gather [hbm4b:s5+s8], $0x2780, s9, s8, $0x38;
	[tilespmem:$0x9F00] =	vst v63  }
0x12: {  	_ =	swait.ge [sflag:s10], $0x2780  }
0x13: {  	[sflag:s10] =	ssyncset.done $0x0  }
0x14: {  	s16 =	simm.s32 $0x0;
	[sflag:s10] =	ssyncadd.s32 $0xFFFFD880  }
.LBB2_2:
0x15: {  	p0 =	sne.s32 s16, $0x9FC0  }
.Ltmp0:
0x16: {  	_ = 	snop;
	(pc) =	sbr.rel @p0 .LBB2_2-.Ltmp0, $4  }
0x17: {  	_ = 	snop  }
0x18: {  	s17 =	sshra.s32 s16, $0x2  }
0x19: {  	[tilespmem:s17+$0x4F00] =	vst v0  }
0x1a: {  	s16 =	sadd.s32 $0x40, s16;
	[tilespmem:s17+$0x7700] =	vst v0  }
0x1b: {  	s17 =	simm.s32 $0x0;
	s16 =	simm.s32 $0x40  }
.LBB2_4:
0x1c: {  	p0 =	sne.s32 s16, $0x9C00;
	v2 =	vld [tilespmem:s17+$0x0];
	_ =	sdelay $0x7  }
0x1d: {  	[tilespmem:v2+s12+$0x0] =	vst.idx.add.f32.msk $0xffff, v1  }
0x1e: {  	v2 =	vld [tilespmem:s17+$0x2780];
	_ =	sdelay $0x3  }
.Ltmp1:
0x1f: {  	(pc) =	sbr.rel @p0 .LBB2_4-.Ltmp1, $2  }
0x20: {  	_ =	sdelay $0x2  }
0x21: {  	s17 =	sshra.s32 s16, $0x2;
	s16 =	sadd.s32 $0x40, s16;
	[tilespmem:v2+s13+$0x0] =	vst.idx.add.f32.msk $0xffff, v1  }
0x22: {  	v2 =	vld [tilespmem:s17+$0x0];
	_ =	sdelay $0x7  }
0x23: {  	[tilespmem:v2+s12+$0x0] =	vst.idx.add.f32.msk $0xffff, v1  }
0x24: {  	v2 =	vld [tilespmem:s17+$0x2780];
	_ =	sdelay $0x7  }
0x25: {  	[tilespmem:v2+s13+$0x0] =	vst.idx.add.f32.msk $0xffff, v1  }
0x26: {  	[hbm4b:s3+s8] =	stream.strided.scatter [tilespmem:s12], [sflag:$0x1], $0x2800, s14, s8, $0x38;
	[tilespmem:$0x9F00] =	vst v63  }
0x27: {  	s15 =	sadd.s32 $0x1, s15;
	_ =	swait.ge [sflag:s10], $0x2800  }
0x28: {  	p0 =	sne.s32 s15, s7;
	[sflag:s10] =	ssyncset.done $0x0  }
.Ltmp2:
0x29: {  	[sflag:s10] =	ssyncadd.s32 $0xFFFFD800;
	(pc) =	sbr.rel @p0 .LBB2_1-.Ltmp2, $4  }
0x2a: {  	[hbm4b:s6+s8] =	stream.strided.scatter [tilespmem:s13], [sflag:$0x1], $0x2800, s14, s8, $0x38;
	[tilespmem:$0x9F00] =	vst v63  }
0x2b: {  	_ =	swait.ge [sflag:s10], $0x2800  }
0x2c: {  	[sflag:s10] =	ssyncset.done $0x0  }
0x2d: {  	[sflag:s10] =	ssyncadd.s32 $0xFFFFD800  }
0x2e: {  	_ =	sfence.sel $0x180000  }
0x2f: {  	[bflag:$0x0] =	sbarrier.arrive $0xFFFF  }
0x30: {  	p0 =	sne.s32 s0, $0x0;
	_ =	strace $0x90000047  }
0x31: {  	s0 =	sadd.s32 @!p0 $0x100000, s1;
	[bflag:$0x2] =	sbarrier.arrive $0xFFFF  }
0x32: {  	[sflag:s0] =	ssyncadd.tile.s32 @!p0 $0x1;
	_ =	shalt  }
.Lfunc_end2:
_tile_overlayer_lowered:
.L_overlay_start_2:
0x33: {  	(tag) =	ssettag $0x2  }
0x34: {  	s0 =	rddreg [dreg:$0x0];
	s2 =	stileid.u32  }
0x35: {  	s1 =	rddreg [dreg:$0x1];
	p0 =	sne.s32 s2, $0x0  }
0x36: {  	s3 =	rddreg [dreg:$0x2];
	[bflag:$0x3] =	sbarrier.arrive $0xFFFF;
	s2 =	simm.s32 @!p0 $0x1C01  }
0x37: {  	[timem:s3], [sflag:s2] =	dma.local @!p0 [hbm:s0], s1  }
0x38: {  	s0 =	simm.s32 @!p0 $0x1  }
0x39: {  	_ =	swait.ge @!p0 [sflag:s0], s1  }
0x3a: {  	s1 =	ssub.s32 @!p0 $0x0, s1;
	[sflag:s0] =	ssyncset.done @!p0 $0x0  }
0x3b: {  	[sflag:s0] =	ssyncadd.s32 @!p0 s1  }
0x3c: {  	[bflag:$0x3] =	sbarrier.arrive $0xFFFF  }
0x3d: {  	_ =	shalt  }

// kernel: kernel.9.cloned.1.call-start
scs
__scs_entry_jumppad:
0x0: {  	(pc) =	sbr.rel $0x88, $3  }
0x1: {  	(tag) =	ssettag $0x0;
	lr =	simm.s32 $0x1  }
0x2: {  	[smem:$0x3F95] =	sst lr;
	_ =	strace $0xD0000000  }
0x3: {  	_ = 	snop  }
0x4: {  	_ = 	snop  }
0x5: {  	_ = 	snop  }
0x6: {  	_ = 	snop  }
0x7: {  	_ = 	snop  }
__scs_overlays_trampoline_lowered:
0x8: {  	[smem:$0x3FA4] =	sst s0  }
0x9: {  	[smem:$0x3FA5] =	sst s1  }
0xa: {  	[smem:$0x3FA6] =	sst s2  }
0xb: {  	[smem:$0x3FA7] =	sst s3  }
0xc: {  	[smem:$0x3FA8] =	sst s4  }
0xd: {  	[smem:$0x3FA9] =	sst s5  }
0xe: {  	[smem:$0x3FAA] =	sst s6  }
0xf: {  	[smem:$0x3FAB] =	sst s7  }
0x10: {  	[smem:$0x3FAC] =	sst s8  }
0x11: {  	[smem:$0x3FAD] =	sst s9;
	s0 =	simm.s32 @!p0 $0x0  }
0x12: {  	s1 =	sld [smem:$0x3F93];
	s0 =	simm.s32 @p0 $0x1  }
0x13: {  	[smem:$0x3FAE] =	sst s0;
	s0 =	simm.s32 @!p1 $0x0  }
0x14: {  	s2 =	sld [smem:$0x3F92];
	s0 =	simm.s32 @p1 $0x1  }
0x15: {  	[smem:$0x3FAF] =	sst s0;
	s0 =	simm.s32 @!p2 $0x0  }
0x16: {  	s3 =	sld [smem:$0x3FDB];
	s0 =	simm.s32 @p2 $0x1  }
0x17: {  	s4 =	simm.s32 $0x1BF5;
	[smem:$0x3FB1] =	sst s0  }
0x18: {  	s0 =	sld [smem:$0x3F94];
	_ =	swait.ge [sflag:s4], $0x0  }
0x19: {  	s7 =	sld [smem:$0x3F95]  }
0x1a: {  	s8 =	sadd.s32 $0xFFFFE003, lr  }
0x1b: {  	s9 =	sadd.s32 $0xFFFFFEF7, lr;
	s5 =	simm.s32 $0xFFFFFFFF;
	p2 =	slt.u32 s8, $0xFFFFF086  }
0x1c: {  	p1 =	slt.u32 s9, $0xF7A;
	s5 =	simm.s32 @!p2 $0x0  }
0x1d: {  	s5 =	simm.s32 @p1 $0x1;
	p0 =	seq.s32 s7, s2  }
0x1e: {  	s7 =	smul.u32 @!p0 $0xF7A, s2;
	p2 =	seq.s32 @!p0 s5, $0x0  }
0x1f: {  	s9 =	smul.u32 $0xF7A, s1;
	s8 =	simm.s32 @!p0 $0x1BF5;
	p2 =	por !p2, p0  }
0x20: {  	[sflag:s8] =	ssyncset.s32 @!p0 $0xFFFFF086;
	s6 =	sadd.s32 @!p0 s3, s7;
	s7 =	simm.s32 @!p0 $0x108  }
0x21: {  	s3 =	sadd.s32 s3, s9;
	s6 =	sadd.s32 @!p0 $0x88, s6;
	s7 =	simm.s32 @p2 $0x1082  }
0x22: {  	[simem:s7], [sflag:s8] =	dma.local @!p0 [hbm:s6], $0xF7A  }
0x23: {  	s9 =	sor.u32 $0xD0000000, s2;
	s6 =	simm.s32 $0x108;
	_ =	swait.ge @!p0 [sflag:s8], $0x0  }
0x24: {  	s3 =	sadd.s32 $0x88, s3;
	s6 =	simm.s32 @!p1 $0x1082;
	[sflag:s4] =	ssyncset.s32 $0xFFFFF086  }
0x25: {  	[simem:s6], [sflag:s4] =	dma.local [hbm:s3], $0xF7A  }
0x26: {  	[smem:$0x3F95] =	sst s1;
	(tag) =	ssettag s2;
	_ =	strace s9  }
0x27: {  	s1 =	sld [smem:$0x3FA5]  }
0x28: {  	s2 =	sld [smem:$0x3FA6]  }
0x29: {  	s4 =	sld [smem:$0x3FA8]  }
0x2a: {  	p0 =	seq.s32 s5, $0x0;
	s5 =	sld [smem:$0x3FA9]  }
0x2b: {  	s6 =	sld [smem:$0x3FAA]  }
0x2c: {  	s7 =	sld [smem:$0x3FAB]  }
0x2d: {  	s3 =	simm.s32 $0x108;
	s8 =	sld [smem:$0x3FAC]  }
0x2e: {  	s3 =	simm.s32 @!p0 $0x1082;
	s9 =	sld [smem:$0x3FAD]  }
0x2f: {  	lr =	sadd.s32 s0, s3;
	s0 =	sld [smem:$0x3FA4]  }
0x30: {  	s3 =	sld [smem:$0x3FA7]  }
0x31: {  	[smem:$0x3FB0] =	sst s10  }
0x32: {  	s10 =	sld [smem:$0x3FAE];
	_ =	sdelay $0x3  }
0x33: {  	p0 =	seq.s32 s10, $0x1;
	s10 =	sld [smem:$0x3FB0];
	_ =	sdelay $0x3  }
0x34: {  	[smem:$0x3FB0] =	sst s10  }
0x35: {  	s10 =	sld [smem:$0x3FAF];
	_ =	sdelay $0x3  }
0x36: {  	p1 =	seq.s32 s10, $0x1;
	s10 =	sld [smem:$0x3FB0];
	_ =	sdelay $0x3  }
0x37: {  	[smem:$0x3FB0] =	sst s10  }
0x38: {  	s10 =	sld [smem:$0x3FB1]  }
0x39: {  	_ = 	snop;
	(pc) =	sbr.ind lr, $3  }
0x3a: {  	_ = 	snop  }
0x3b: {  	_ = 	snop  }
0x3c: {  	p2 =	seq.s32 s10, $0x1;
	s10 =	sld [smem:$0x3FB0]  }
0x3d: {  	_ =	shalt  }
0x3e: {  	_ =	shalt  }
0x3f: {  	_ =	shalt  }
0x40: {  	_ =	shalt  }
0x41: {  	_ =	shalt  }
0x42: {  	_ =	shalt  }
0x43: {  	_ =	shalt  }
0x44: {  	_ =	shalt  }
0x45: {  	_ =	shalt  }
0x46: {  	_ =	shalt  }
0x47: {  	_ =	shalt  }
0x48: {  	_ =	shalt  }
0x49: {  	_ =	shalt  }
0x4a: {  	_ =	shalt  }
0x4b: {  	_ =	shalt  }
0x4c: {  	_ =	shalt  }
0x4d: {  	_ =	shalt  }
0x4e: {  	_ =	shalt  }
0x4f: {  	_ =	shalt  }
0x50: {  	_ =	shalt  }
0x51: {  	_ =	shalt  }
0x52: {  	_ =	shalt  }
0x53: {  	_ =	shalt  }
0x54: {  	_ =	shalt  }
0x55: {  	_ =	shalt  }
0x56: {  	_ =	shalt  }
0x57: {  	_ =	shalt  }
0x58: {  	_ =	shalt  }
0x59: {  	_ =	shalt  }
0x5a: {  	_ =	shalt  }
0x5b: {  	_ =	shalt  }
0x5c: {  	_ =	shalt  }
0x5d: {  	_ =	shalt  }
0x5e: {  	_ =	shalt  }
0x5f: {  	_ =	shalt  }
0x60: {  	_ =	shalt  }
0x61: {  	_ =	shalt  }
0x62: {  	_ =	shalt  }
0x63: {  	_ =	shalt  }
0x64: {  	_ =	shalt  }
0x65: {  	_ =	shalt  }
0x66: {  	_ =	shalt  }
0x67: {  	_ =	shalt  }
0x68: {  	_ =	shalt  }
0x69: {  	_ =	shalt  }
0x6a: {  	_ =	shalt  }
0x6b: {  	_ =	shalt  }
0x6c: {  	_ =	shalt  }
0x6d: {  	_ =	shalt  }
0x6e: {  	_ =	shalt  }
0x6f: {  	_ =	shalt  }
0x70: {  	_ =	shalt  }
0x71: {  	_ =	shalt  }
0x72: {  	_ =	shalt  }
0x73: {  	_ =	shalt  }
0x74: {  	_ =	shalt  }
0x75: {  	_ =	shalt  }
0x76: {  	_ =	shalt  }
0x77: {  	_ =	shalt  }
0x78: {  	_ =	shalt  }
0x79: {  	_ =	shalt  }
0x7a: {  	_ =	shalt  }
0x7b: {  	_ =	shalt  }
0x7c: {  	_ =	shalt  }
0x7d: {  	_ =	shalt  }
0x7e: {  	_ =	shalt  }
0x7f: {  	_ =	shalt  }
0x80: {  	_ =	shalt  }
0x81: {  	_ =	shalt  }
0x82: {  	_ =	shalt  }
0x83: {  	_ =	shalt  }
0x84: {  	_ =	shalt  }
0x85: {  	_ =	shalt  }
0x86: {  	_ =	shalt  }
0x87: {  	_ =	shalt  }
.Lfunc_end0:
.L_simem_size_0:
called_computation.1_lowered:
.L_overlay_start_0:
0x88: {  	s2 =	sld [smem:$0x3FD9]  }
0x89: {  	s3 =	sld [smem:$0x3FFE];
	_ =	sdelay $0x1  }
0x8a: {  	s1 =	srdreg.scid  }
0x8b: {  	s0 =	sand.u32 $0x1, s1  }
0x8c: {  	s16 =	sshll.u32 s0, $0xA;
	s2 =	sadd.s32 s3, s2  }
0x8d: {  	s2 =	sadd.s32 s2, s16  }
0x8e: {  	[smem:$0x3FBC] =	sst s2  }
0x8f: {  	_ = 	snop  }
0x90: {  	(tm) =	ssettm $0x1  }
0x91: {  	s17 =	sld [smem:$0x3FFB];
	_ =	sdelay $0x3  }
0x92: {  	_ =	strace s17  }
0x93: {  	s2 =	sld [smem:$0x3FFC];
	_ =	sdelay $0x3  }
0x94: {  	_ =	strace s2  }
0x95: {  	s2 =	sld [smem:$0x3FFD];
	_ =	sdelay $0x3  }
0x96: {  	_ =	strace s2  }
0x97: {  	_ =	strace $0x8FFFFFFF  }
0x98: {  	s18 =	sld [smem:$0x3FDB];
	_ =	sdelay $0x1  }
0x99: {  	s19 =	simm.s32 $_scs_section_size  }
0x9a: {  	s4 =	simm.s32 $_size__tile_overlayer_lowered;
	s5 =	simm.s32 $_tile_overlayer_lowered  }
0x9b: {  	s22 =	simm.s32 $0x1BFF;
	s21 =	sshll.u32 s5, $0x1;
	s2 =	sadd.s32 s19, s18  }
0x9c: {  	s6 =	simm.s32 $0x0;
	s20 =	sshll.u32 s4, $0x1;
	s4 =	sadd.s32 s21, s2  }
0x9d: {  	[timem:s6], [sflag:s22] =	dma.local [hbm:s4], s20  }
0x9e: {  	_ =	swait.ge [sflag:s22], s20  }
0x9f: {  	s3 =	ssub.s32 $0x0, s20;
	[sflag:s22] =	ssyncset.done $0x0  }
0xa0: {  	[sflag:s22] =	ssyncadd.s32 s3;
	_ =	sdelay $0x1  }
0xa1: {  	s23 =	simm.s32 $0x1B8B  }
0xa2: {  	_ =	swait.ge [sflag:s23], $0x1  }
0xa3: {  	[sflag:s23] =	ssyncset.done $0x0  }
0xa4: {  	s25 =	simm.s32 $0x1B8E;
	s24 =	sld [smem:$0x3FFE];
	[sflag:s23] =	ssyncadd.s32 $0xFFFFFFFF  }
0xa5: {  	s26 =	simm.s32 $execute0_lowered;
	[smem:$0x3FD2] =	sst s25  }
0xa6: {  	s4 =	sshll.u32 s26, $0x1;
	_ =	strace $0x80000049;
	[dreg:$0x1] =	wrdreg $0xFFFFFFFF  }
0xa7: {  	s28 =	simm.s32 $_size_execute0_lowered;
	s2 =	sadd.s32 s2, s4;
	[dreg:$0x0] =	wrdreg $0x0  }
0xa8: {  	s4 =	sshll.u32 s28, $0x1;
	[dreg:$0x2] =	wrdreg s2  }
0xa9: {  	[dreg:$0x3] =	wrdreg s4  }
0xaa: {  	[dreg:$0x4] =	wrdreg $0xC0  }
0xab: {  	_ =	task [dreg:s6], $0x5FFFF  }
0xac: {  	[dreg:$0x1] =	wrdreg $0xFFFFFFFF  }
0xad: {  	[dreg:$0x0] =	wrdreg $0x60  }
0xae: {  	[dreg:$0x2] =	wrdreg s24  }
0xaf: {  	[dreg:$0x3] =	wrdreg $0xA4000  }
0xb0: {  	[dreg:$0x4] =	wrdreg $0x9  }
0xb1: {  	_ =	task.clear_ibuf [dreg:s6], $0x5FFFF;
	_ =	strace $0x90000049  }
0xb2: {  	s29 =	simm.s32 $0x9;
	_ =	strace $0x8000004B  }
0xb3: {  	_ =	swait.ge [sflag:s29], $0x1  }
0xb4: {  	[sflag:s29] =	ssyncadd.s32 $0xFFFFFFFF  }
0xb5: {  	_ =	strace $0x9000004B  }
0xb6: {  	_ =	sfence  }
0xb7: {  	s30 =	sld [smem:$0x0];
	_ =	sdelay $0x2  }
0xb8: {  	s31 =	sshll.u32 s1, $0xD;
	s1 =	sshrl.u32 s1, $0x2  }
0xb9: {  	s3 =	sand.u32 $0x4000, s31;
	s1 =	sadd.s32 s1, s30  }
0xba: {  	s0 =	sor.u32 s3, s0;
	s1 =	sshll.u32 s1, $0x11  }
0xbb: {  	s0 =	sor.u32 s1, s0  }
0xbc: {  	s0 =	sadd.s32 $0x8F2B, s0  }
0xbd: {  	[sflag:s0] =	ssyncadd.remote.s32 $0x1  }
0xbe: {  	_ =	sfence.sel $0xFFFF  }
0xbf: {  	[dreg:$0x0] =	wrdreg $0xFFFFFFFF;
	(pc) =	sbr.abs _section_cstart, $3  }
0xc0: {  	[dreg:$0x1] =	wrdreg $0xFFFFFFFF  }
0xc1: {  	_ =	task.clear_ibuf [dreg:s6], $0x2FFFF;
	_ =	strace $0x9FFFFFFF  }
0xc2: {  	(tm) =	ssettm $0x7FFFFFFF  }
0xc3: {  	_ =	shalt  }
tec
execute0_lowered:
.L_overlay_start_1:
0x0: {  	(tag) =	ssettag $0x1  }
0x1: {  	s0 =	rddreg [dreg:$0x0]  }
0x2: {  	s2 =	rddreg [dreg:$0x1];
	s3 =	simm.s32 $0x0;
	s11 =	stileid.u32  }
0x3: {  	s1 =	srdreg.scid;
	s15 =	simm.s32 $0x9;
	s16 =	simm.s32 $0x100  }
0x4: {  	s17 =	simm.s32 $0x200;
	s18 =	simm.s32 $0x50;
	s19 =	simm.s32 $0x400  }
0x5: {  	s28 =	simm.s32 $0x6;
	s29 =	simm.s32 $0x180;
	s5 =	smul.u32 $0x14000, s11  }
0x6: {  	s30 =	simm.s32 $0x1;
	s31 =	simm.s32 $0x7;
	s20 =	smul.u32 $0xFA00, s11  }
0x7: {  	[smem:$0x7FF] =	sst s3;
	s1 =	sand.u32 $0x1, s1;
	s10 =	smul.u32 $0x50000, s11  }
0x8: {  	s4 =	sadd.s32 $0xCD400, s0;
	s8 =	sadd.s32 $0x3EC00, s0;
	s6 =	smul.u32 $0x140000, s1  }
0x9: {  	s11 =	sshll.u32 s11, $0x6;
	s9 =	smul.u32 $0xFA000, s1;
	s1 =	ssub.s32 $0x2, s1  }
0xa: {  	_ =	strace $0x8000004A;
	s7 =	sshrl.u32 s5, $0x3;
	s21 =	sshrl.u32 s1, $0x1  }
0xb: {  	s22 =	sshrl.u32 s10, $0x2;
	s7 =	sadd.s32 s7, s0;
	s5 =	sadd.s32 s5, s6  }
0xc: {  	s6 =	sadd.s32 s20, s9;
	s1 =	ssub.s32 s1, s21;
	s10 =	sadd.s32 s22, s2  }
0xd: {  	s20 =	simm.s32 $0x2C00;
	s21 =	simm.s32 $0x5400;
	s22 =	simm.s32 $0x300  }
0xe: {  	s5 =	sshrl.u32 s5, $0x3;
	s9 =	sshrl.u32 s6, $0x3;
	s7 =	sadd.s32 $0x3000, s7  }
0xf: {  	s6 =	sadd.s32 $0x400, s6;
	s25 =	smax.u32 s1, $0x1;
	s14 =	sshrl.u32 s10, $0x3  }
0x10: {  	s1 =	simm.s32 $0x2;
	s10 =	simm.s32 $0x0;
	s0 =	sadd.s32 s5, s0  }
0x11: {  	s5 =	sadd.s32 s8, s9;
	[dreg:$0x3] =	wrdreg s7;
	s7 =	sor.u32 $0x1C09, s11  }
0x12: {  	[dreg:$0x8] =	wrdreg s25;
	s26 =	sshrl.u32 s6, $0x3;
	s9 =	sadd.s32 $0x20, s5  }
0x13: {  	s25 =	simm.s32 $0x4;
	s23 =	sadd.s32 $0x40, s5;
	[dreg:$0x4] =	wrdreg s9  }
.Ltmp0:
0x14: {  	s24 =	sadd.s32 $0x60, s5;
	[dreg:$0x5] =	wrdreg s23;
	(pc) =	sbr.rel .LBB2_1-.Ltmp0, $4  }
0x15: {  	s6 =	simm.s32 $0x8;
	s0 =	sadd.s32 $0x11D400, s0;
	[dreg:$0x6] =	wrdreg s24  }
0x16: {  	[dreg:$0x7] =	wrdreg s0;
	s0 =	sadd.s32 s26, s8;
	s23 =	simm.s32 $0x5  }
0x17: {  	s24 =	simm.s32 $0x80;
	s26 =	simm.s32 $0x7C00;
	s8 =	simm.s32 $0x380  }
0x18: {  	s9 =	simm.s32 $0x3;
	[dreg:$0x9] =	wrdreg s0;
	s0 =	simm.s32 $0x280  }
.LBB2_22:
0x19: {  	[bflag:$0x0] =	sbarrier.arrive $0xFFFF  }
0x1a: {  	s11 =	rddreg [dreg:$0x7]  }
0x1b: {  	[hbm:s11], [sflag:s7] =	dma.local [spmem:s14], $0x2800  }
0x1c: {  	_ =	swait.ge [sflag:s15], $0x2800  }
0x1d: {  	s10 =	sadd.s32 $0x1, s10;
	s13 =	rddreg [dreg:$0x8]  }
0x1e: {  	p0 =	sne.s32 s10, s13  }
.Ltmp1:
0x1f: {  	_ = 	snop;
	(pc) =	sbr.rel @!p0 .LBB2_23-.Ltmp1, $3  }
0x20: {  	_ =	sdelay $0x1  }
0x21: {  	[sflag:s15] =	ssyncset.done $0x0  }
0x22: {  	[sflag:s15] =	ssyncadd.s32 $0xFFFFD800  }
.LBB2_1:
0x23: {  	s11 =	rddreg [dreg:$0x3]  }
0x24: {  	[spmem:s14], [sflag:s7] =	dma.local [hbm:s11], $0x2800  }
0x25: {  	_ =	swait.ge [sflag:s15], $0x2800  }
0x26: {  	[sflag:s15] =	ssyncset.done $0x0  }
0x27: {  	[sflag:s15] =	ssyncadd.s32 $0xFFFFD800  }
0x28: {  	[bflag:$0x0] =	sbarrier.arrive $0xFFFF  }
0x29: {  	[tilespmem:s3], [sflag:$0x9] =	stream.linear.gather [hbm4b:s5+s3], $0x100, $0x38;
	[tilespmem:$0x1E400] =	vst v63  }
0x2a: {  	_ =	swait.ge [sflag:s15], $0x100  }
0x2b: {  	[sflag:s15] =	ssyncset.done $0x0  }
0x2c: {  	s13 =	rddreg [dreg:$0x4];
	[sflag:s15] =	ssyncadd.s32 $0xFFFFFF00  }
0x2d: {  	[tilespmem:s16], [sflag:$0x9] =	stream.linear.gather [hbm4b:s13+s3], $0x100, $0x38;
	[tilespmem:$0x1E400] =	vst v63  }
0x2e: {  	_ =	swait.ge [sflag:s15], $0x100  }
0x2f: {  	[sflag:s15] =	ssyncset.done $0x0  }
0x30: {  	s12 =	rddreg [dreg:$0x5];
	[sflag:s15] =	ssyncadd.s32 $0xFFFFFF00  }
0x31: {  	[tilespmem:s17], [sflag:$0x9] =	stream.linear.gather [hbm4b:s12+s3], $0x100, $0x38;
	[tilespmem:$0x1E400] =	vst v63  }
0x32: {  	_ =	swait.ge [sflag:s15], $0x100  }
0x33: {  	[sflag:s15] =	ssyncset.done $0x0  }
0x34: {  	[sflag:s15] =	ssyncadd.s32 $0xFFFFFF00  }
0x35: {  	[tilespmem:s19], [sflag:$0x5] =	stream.indirect.gather [hbm4b:s4+s18], $0x80, s3, s18, $0xb8;
	[tilespmem:$0x1E400] =	vst v63  }
0x36: {  	_ = 	snop  }
0x37: {  	[tilespmem:s20], [sflag:$0x6] =	stream.indirect.gather [hbm4b:s4+s18], $0x80, s16, s18, $0xb8;
	[tilespmem:$0x1E400] =	vst v63  }
.Ltmp2:
0x38: {  	_ = 	snop;
	(pc) =	sbr.rel .LBB2_2-.Ltmp2, $4  }
0x39: {  	[tilespmem:s21], [sflag:$0x7] =	stream.indirect.gather [hbm4b:s4+s18], $0x80, s17, s18, $0xb8;
	[tilespmem:$0x1E400] =	vst v63  }
0x3a: {  	s13 =	rddreg [dreg:$0x6]  }
0x3b: {  	[tilespmem:s22], [sflag:$0x4] =	stream.linear.gather [hbm4b:s13+s3], $0x100, $0x38;
	[tilespmem:$0x1E400] =	vst v63  }
0x3c: {  	s12 =	simm.s32 $0x0;
	s13 =	rddreg [dreg:$0x9]  }
.LBB2_18:
0x3d: {  	[tilespmem:s22], [sflag:$0x4] =	stream.linear.gather [hbm4b:s13+s3], $0x100, $0x38;
	[tilespmem:$0x1E400] =	vst v63  }
.LBB2_20:
0x3e: {  	_ =	swait.ge [sflag:s9], $0x100  }
0x3f: {  	[sflag:s9] =	ssyncset.done $0x0  }
0x40: {  	[sflag:s9] =	ssyncadd.s32 $0xFFFFFF00  }
0x41: {  	[tilespmem:s21], [sflag:$0x7] =	stream.indirect.gather [hbm4b:s4+s18], $0x80, s17, s18, $0xb8;
	[tilespmem:$0x1E400] =	vst v63  }
.LBB2_21:
0x42: {  	s12 =	sadd.s32 $0x1, s12  }
0x43: {  	p0 =	sne.s32 s12, $0xFA  }
.Ltmp3:
0x44: {  	_ = 	snop;
	(pc) =	sbr.rel @!p0 .LBB2_22-.Ltmp3, $2  }
0x45: {  	_ =	sdelay $0x2  }
0x46: {  	s13 =	sadd.s32 $0x20, s13  }
.LBB2_2:
0x47: {  	s11 =	sand.u32 $0x3, s12  }
0x48: {  	p0 =	sgt.s32 s11, $0x1  }
.Ltmp4:
0x49: {  	_ = 	snop;
	(pc) =	sbr.rel @p0 .LBB2_16-.Ltmp4, $1  }
0x4a: {  	_ =	sdelay $0x3  }
0x4b: {  	p0 =	seq.s32 s11, $0x0  }
.Ltmp5:
0x4c: {  	_ = 	snop;
	(pc) =	sbr.rel @!p0 .LBB2_8-.Ltmp5, $1  }
0x4d: {  	_ =	sdelay $0x3  }
0x4e: {  	_ =	swait.ge [sflag:s23], $0x2800  }
0x4f: {  	p0 =	sgt.u32 s12, $0xF5;
	[sflag:s23] =	ssyncset.done $0x0  }
.Ltmp6:
0x50: {  	[sflag:s23] =	ssyncadd.s32 $0xFFFFD800;
	(pc) =	sbr.rel @p0 .LBB2_6-.Ltmp6, $4  }
0x51: {  	[spmem:s2] =	stream.indirect.scatter.add.f32 [tilespmem:s19], [sflag:$0x9], $0x80, s24, s18, $0xb8;
	[tilespmem:$0x1E400] =	vst v63  }
0x52: {  	_ =	swait.ge [sflag:s15], $0x2800  }
0x53: {  	[sflag:s15] =	ssyncset.done $0x0  }
0x54: {  	[sflag:s15] =	ssyncadd.s32 $0xFFFFD800  }
.Ltmp7:
0x55: {  	(pc) =	sbr.rel .LBB2_7-.Ltmp7, $2  }
0x56: {  	_ =	sdelay $0x2  }
0x57: {  	[tilespmem:s3], [sflag:$0x1] =	stream.linear.gather [hbm4b:s13+s3], $0x100, $0x38;
	[tilespmem:$0x1E400] =	vst v63  }
.LBB2_16:
0x58: {  	p1 =	seq.s32 s11, $0x2  }
.Ltmp8:
0x59: {  	_ = 	snop;
	(pc) =	sbr.rel @!p1 .LBB2_17-.Ltmp8, $2  }
0x5a: {  	_ =	sdelay $0x2  }
0x5b: {  	p0 =	sgt.u32 s12, $0xF5  }
0x5c: {  	_ =	swait.ge [sflag:s31], $0x2800  }
0x5d: {  	[sflag:s31] =	ssyncset.done $0x0  }
.Ltmp9:
0x5e: {  	[sflag:s31] =	ssyncadd.s32 $0xFFFFD800;
	(pc) =	sbr.rel @p0 .LBB2_14-.Ltmp9, $4  }
0x5f: {  	[spmem:s2] =	stream.indirect.scatter.add.f32 [tilespmem:s21], [sflag:$0x9], $0x80, s0, s18, $0xb8;
	[tilespmem:$0x1E400] =	vst v63  }
0x60: {  	_ =	swait.ge [sflag:s15], $0x2800  }
0x61: {  	[sflag:s15] =	ssyncset.done $0x0  }
0x62: {  	[sflag:s15] =	ssyncadd.s32 $0xFFFFD800  }
.Ltmp10:
0x63: {  	(pc) =	sbr.rel .LBB2_15-.Ltmp10, $2  }
0x64: {  	_ =	sdelay $0x2  }
0x65: {  	[tilespmem:s17], [sflag:$0x3] =	stream.linear.gather [hbm4b:s13+s3], $0x100, $0x38;
	[tilespmem:$0x1E400] =	vst v63  }
.LBB2_8:
0x66: {  	_ =	swait.ge [sflag:s28], $0x2800  }
0x67: {  	p0 =	sgt.u32 s12, $0xF5;
	[sflag:s28] =	ssyncset.done $0x0  }
.Ltmp11:
0x68: {  	[sflag:s28] =	ssyncadd.s32 $0xFFFFD800;
	(pc) =	sbr.rel @p0 .LBB2_10-.Ltmp11, $4  }
0x69: {  	[spmem:s2] =	stream.indirect.scatter.add.f32 [tilespmem:s20], [sflag:$0x9], $0x80, s29, s18, $0xb8;
	[tilespmem:$0x1E400] =	vst v63  }
0x6a: {  	_ =	swait.ge [sflag:s15], $0x2800  }
0x6b: {  	[sflag:s15] =	ssyncset.done $0x0  }
0x6c: {  	[sflag:s15] =	ssyncadd.s32 $0xFFFFD800  }
.Ltmp12:
0x6d: {  	(pc) =	sbr.rel .LBB2_11-.Ltmp12, $2  }
0x6e: {  	_ =	sdelay $0x2  }
0x6f: {  	[tilespmem:s16], [sflag:$0x2] =	stream.linear.gather [hbm4b:s13+s3], $0x100, $0x38;
	[tilespmem:$0x1E400] =	vst v63  }
.LBB2_17:
0x70: {  	_ =	swait.ge [sflag:s6], $0x2800  }
0x71: {  	[sflag:s6] =	ssyncset.done $0x0  }
.Ltmp13:
0x72: {  	[sflag:s6] =	ssyncadd.s32 $0xFFFFD800;
	(pc) =	sbr.rel @!p0 .LBB2_18-.Ltmp13, $4  }
0x73: {  	[spmem:s2] =	stream.indirect.scatter.add.f32 [tilespmem:s26], [sflag:$0x9], $0x80, s8, s18, $0xb8;
	[tilespmem:$0x1E400] =	vst v63  }
0x74: {  	_ =	swait.ge [sflag:s15], $0x2800  }
0x75: {  	[sflag:s15] =	ssyncset.done $0x0  }
0x76: {  	[sflag:s15] =	ssyncadd.s32 $0xFFFFD800  }
0x77: {  	p0 =	sne.s32 s12, $0xF6  }
.Ltmp14:
0x78: {  	_ = 	snop;
	(pc) =	sbr.rel @p0 .LBB2_21-.Ltmp14, $4  }
.Ltmp15:
0x79: {  	_ = 	snop;
	(pc) =	sbr.rel @!p0 .LBB2_20-.Ltmp15, $4  }
0x7a: {  	_ = 	snop  }
0x7b: {  	_ = 	snop  }
0x7c: {  	_ = 	snop  }
0x7d: {  	_ = 	snop  }
.LBB2_6:
0x7e: {  	p0 =	sne.s32 s12, $0xF6  }
.Ltmp16:
0x7f: {  	_ = 	snop;
	(pc) =	sbr.rel @p0 .LBB2_21-.Ltmp16, $1  }
0x80: {  	_ =	sdelay $0x3  }
.LBB2_7:
.Ltmp17:
0x81: {  	(pc) =	sbr.rel .LBB2_21-.Ltmp17, $4  }
0x82: {  	_ =	swait.ge [sflag:s25], $0x100  }
0x83: {  	[sflag:s25] =	ssyncset.done $0x0  }
0x84: {  	[sflag:s25] =	ssyncadd.s32 $0xFFFFFF00  }
0x85: {  	[tilespmem:s26], [sflag:$0x8] =	stream.indirect.gather [hbm4b:s4+s18], $0x80, s22, s18, $0xb8;
	[tilespmem:$0x1E400] =	vst v63  }
.LBB2_14:
0x86: {  	p0 =	sne.s32 s12, $0xF6  }
.Ltmp18:
0x87: {  	_ = 	snop;
	(pc) =	sbr.rel @p0 .LBB2_21-.Ltmp18, $1  }
0x88: {  	_ =	sdelay $0x3  }
.LBB2_15:
.Ltmp19:
0x89: {  	(pc) =	sbr.rel .LBB2_21-.Ltmp19, $4  }
0x8a: {  	_ =	swait.ge [sflag:s1], $0x100  }
0x8b: {  	[sflag:s1] =	ssyncset.done $0x0  }
0x8c: {  	[sflag:s1] =	ssyncadd.s32 $0xFFFFFF00  }
0x8d: {  	[tilespmem:s20], [sflag:$0x6] =	stream.indirect.gather [hbm4b:s4+s18], $0x80, s16, s18, $0xb8;
	[tilespmem:$0x1E400] =	vst v63  }
.LBB2_10:
0x8e: {  	p0 =	sne.s32 s12, $0xF6  }
.Ltmp20:
0x8f: {  	_ = 	snop;
	(pc) =	sbr.rel @p0 .LBB2_21-.Ltmp20, $1  }
0x90: {  	_ =	sdelay $0x3  }
.LBB2_11:
.Ltmp21:
0x91: {  	(pc) =	sbr.rel .LBB2_21-.Ltmp21, $4  }
0x92: {  	_ =	swait.ge [sflag:s30], $0x100  }
0x93: {  	[sflag:s30] =	ssyncset.done $0x0  }
0x94: {  	[sflag:s30] =	ssyncadd.s32 $0xFFFFFF00  }
0x95: {  	[tilespmem:s19], [sflag:$0x5] =	stream.indirect.gather [hbm4b:s4+s18], $0x80, s3, s18, $0xb8;
	[tilespmem:$0x1E400] =	vst v63  }
.LBB2_23:
0x96: {  	_ =	sfence.sel $0x180000  }
0x97: {  	[bflag:$0x0] =	sbarrier.arrive $0xFFFF  }
0x98: {  	_ =	strace $0x9000004A  }
0x99: {  	s0 =	stileid.u32;
	[bflag:$0x2] =	sbarrier.arrive $0xFFFF  }
0x9a: {  	p0 =	sne.s32 s0, $0x0;
	s0 =	rddreg [dreg:$0x2]  }
0x9b: {  	s0 =	sadd.s32 @!p0 $0x100000, s0  }
0x9c: {  	[sflag:s0] =	ssyncadd.tile.s32 @!p0 $0x1;
	_ =	shalt  }
.Lfunc_end2:
_tile_overlayer_lowered:
.L_overlay_start_2:
0x9d: {  	(tag) =	ssettag $0x2  }
0x9e: {  	s0 =	rddreg [dreg:$0x0];
	s2 =	stileid.u32  }
0x9f: {  	s1 =	rddreg [dreg:$0x1];
	p0 =	sne.s32 s2, $0x0  }
0xa0: {  	s3 =	rddreg [dreg:$0x2];
	[bflag:$0x3] =	sbarrier.arrive $0xFFFF;
	s2 =	simm.s32 @!p0 $0x1C09  }
0xa1: {  	[timem:s3], [sflag:s2] =	dma.local @!p0 [hbm:s0], s1  }
0xa2: {  	s0 =	simm.s32 @!p0 $0x9  }
0xa3: {  	_ =	swait.ge @!p0 [sflag:s0], s1  }
0xa4: {  	s1 =	ssub.s32 @!p0 $0x0, s1;
	[sflag:s0] =	ssyncset.done @!p0 $0x0  }
0xa5: {  	[sflag:s0] =	ssyncadd.s32 @!p0 s1  }
0xa6: {  	[bflag:$0x3] =	sbarrier.arrive $0xFFFF  }
0xa7: {  	_ =	shalt  }

</sc_bundles>
